<compile_context>
chip_gen: v7x
topology: tpu7x:2x2x1
jax: 0.10.2.dev20260603
libtpu: 0.0.44.dev20260713+nightly
codegen_flags: <defaults>
</compile_context>

<pallas_src>
import functools

import jax
import jax.numpy as jnp
from jax import lax
from jax.experimental import pallas as pl
from jax.experimental.pallas import tpu as pltpu
from jax.experimental.pallas import tpu_sc as plsc

_NC = 2
_NS = 16
_NW = _NC * _NS

_D = 64
_CH = 128
_NB = 4


def kernel(tc, embedding):
    n_b, n_h = tc.shape
    total = n_b * n_h
    rows_total = total // _CH
    rpw = rows_total // _NW
    ngr = rpw // _NB
    assert rows_total % _NW == 0 and rpw % _NB == 0 and ngr % 2 == 0

    idx2d = tc.reshape(rows_total, _CH)

    mesh = plsc.VectorSubcoreMesh(core_axis_name="c", subcore_axis_name="s")

    @functools.partial(
        pl.kernel,
        out_type=jax.ShapeDtypeStruct((total, _D), jnp.float32),
        mesh=mesh,
        scratch_types=[
            pltpu.VMEM((_NB, _CH), jnp.int32),
            pltpu.VMEM((_NB, _CH), jnp.int32),
            pltpu.VMEM((_NB, _CH, _D), jnp.float32),
            pltpu.VMEM((_NB, _CH, _D), jnp.float32),
            pltpu.SemaphoreType.DMA,
            pltpu.SemaphoreType.DMA,
            pltpu.SemaphoreType.DMA,
            pltpu.SemaphoreType.DMA,
        ],
        compiler_params=pltpu.CompilerParams(use_tc_tiling_on_sc=False),
    )
    def run(idx_hbm, table_hbm, out_hbm,
            idx0, idx1, rows0, rows1, gsem0, gsem1, wsem0, wsem1):
        wid = lax.axis_index("s") * _NC + lax.axis_index("c")
        base_row = wid * rpw

        def gather_group(g, idx_v, rows_v, gsem, wsem):
            grow = base_row + g * _NB
            pltpu.sync_copy(idx_hbm.at[pl.ds(grow, _NB)], idx_v)
            hs = [
                pltpu.async_copy(table_hbm.at[idx_v.at[b]], rows_v.at[b], gsem)
                for b in range(_NB)
            ]
            for h in hs:
                h.wait()
            for b in range(_NB):
                pltpu.async_copy(
                    rows_v.at[b], out_hbm.at[pl.ds((grow + b) * _CH, _CH)], wsem
                )

        def drain_writes(g, rows_v, wsem):
            grow = base_row + g * _NB
            for b in range(_NB):
                pltpu.make_async_copy(
                    rows_v.at[b], out_hbm.at[pl.ds((grow + b) * _CH, _CH)], wsem
                ).wait()

        gather_group(0, idx0, rows0, gsem0, wsem0)
        gather_group(1, idx1, rows1, gsem1, wsem1)

        def body(it, carry):
            g_even = 2 * it + 2
            drain_writes(g_even - 2, rows0, wsem0)
            gather_group(g_even, idx0, rows0, gsem0, wsem0)
            g_odd = g_even + 1
            drain_writes(g_odd - 2, rows1, wsem1)
            gather_group(g_odd, idx1, rows1, gsem1, wsem1)
            return carry

        lax.fori_loop(0, (ngr - 2) // 2, body, 0)

        drain_writes(ngr - 2, rows0, wsem0)
        drain_writes(ngr - 1, rows1, wsem1)

    out = run(idx2d, embedding)
    return out.reshape(n_b, n_h, _D)

# --- scband reference (transcript-rebuilt; emitter-appended) ---
"""Pipeline reference for scband-position-expansion-11965778887069 (READ-ONLY COPY).

The authoritative reference and input builder live on the scoring server;
editing this copy changes nothing except your own understanding.
"""

import jax, jax.numpy as jnp
import numpy as np

PERIODS = 366
FREQS = 32
BATCH = 16384
HIST = 200


def position_encoding(periods: int, freqs: int):
    return np.hstack([
        np.fromfunction(lambda i, j: np.sin(np.pi / periods * 2 ** j * (i - 1)), (periods + 1, freqs)),
        np.fromfunction(lambda i, j: np.cos(np.pi / periods * 2 ** j * (i - 1)), (periods + 1, freqs)),
    ])


def setup_inputs(seed: int = 0) -> dict:
    key = jax.random.key(seed)
    tc = jax.random.randint(key, (BATCH, HIST), 0, PERIODS + 1, dtype=jnp.int32)
    embedding = jnp.asarray(position_encoding(PERIODS, FREQS), dtype=jnp.float32)
    return {"tc": tc, "embedding": embedding}


def reference(tc, embedding):
    # flat = tc.view(1, -1); embedding.index_select(0, flat.flatten().long())
    flat = tc.reshape(-1).astype(jnp.int32)
    embedded = jnp.take(embedding, flat, axis=0)
    out_shape = tc.shape
    channels = embedding.shape[1]
    return embedded.reshape(out_shape[0], out_shape[1], channels)

if __name__ == "__main__":
    import jax
    _d = setup_inputs()
    print(jax.jit(kernel)(*tuple(_d.values())))

</pallas_src>

<mosaic_0001>
#map = affine_map<(d0, d1) -> (0, 0)>
module attributes {stable_mosaic.version = 14 : i64} {
  func.func @run(%arg0: i32, %arg1: i32, %arg2: memref<25600x128xi32, #tpu.memory_space<hbm>>, %arg3: memref<367x64xf32, #tpu.memory_space<hbm>>, %arg4: memref<3276800x64xf32, #tpu.memory_space<hbm>>, %arg5: memref<4x128xi32, #tpu.memory_space<vmem>>, %arg6: memref<4x128xi32, #tpu.memory_space<vmem>>, %arg7: memref<4x128x64xf32, #tpu.memory_space<vmem>>, %arg8: memref<4x128x64xf32, #tpu.memory_space<vmem>>, %arg9: memref<!tpu.dma_semaphore, #tpu.memory_space<semaphore_mem>>, %arg10: memref<!tpu.dma_semaphore, #tpu.memory_space<semaphore_mem>>, %arg11: memref<!tpu.dma_semaphore, #tpu.memory_space<semaphore_mem>>, %arg12: memref<!tpu.dma_semaphore, #tpu.memory_space<semaphore_mem>>) attributes {dimension_semantics = [#tpu.dimension_semantics<core_parallel>, #tpu.dimension_semantics<subcore_parallel>], iteration_bounds = array<i64: 2, 16>, scalar_prefetch = 0 : i64, scratch_operands = 8 : i64, tpu.core_type = #tpu.core_type<sc_vector_subcore>, window_params = [{transform_indices = #map}, {transform_indices = #map}, {transform_indices = #map}]} {
    %mul3A = arith.constant 2 : i32
    %mul3A_0 = arith.muli %arg1, %mul3A : i32
    %add3A = arith.addi %mul3A_0, %arg0 : i32
    %mul3A_1 = arith.constant 800 : i32
    %mul3A_2 = arith.muli %add3A, %mul3A_1 : i32
    %add3A_3 = arith.constant 0 : i32
    %add3A_4 = arith.addi %mul3A_2, %add3A_3 : i32
    "tpu.region"() ({
      %run_scoped3A = tpu.sem_alloc : memref<!tpu.dma_semaphore, #tpu.memory_space<semaphore_mem>>
      %dma_start3A_478 = arith.constant 0 : i32
      %dma_start3A_479 = tpu.memref_slice %arg2[%add3A_4, %dma_start3A_478] : memref<25600x128xi32, #tpu.memory_space<hbm>> -> memref<4x128xi32, #tpu.memory_space<hbm>>
      %dma_start3A_480 = arith.constant 0 : i32
      %dma_start3A_481 = tpu.memref_slice %arg2[%add3A_4, %dma_start3A_480] : memref<25600x128xi32, #tpu.memory_space<hbm>> -> memref<4x128xi32, #tpu.memory_space<hbm>>
      tpu.enqueue_dma source(%dma_start3A_481 : memref<4x128xi32, #tpu.memory_space<hbm>>) target(%arg5 : memref<4x128xi32, #tpu.memory_space<vmem>>) target_semaphore(%run_scoped3A : memref<!tpu.dma_semaphore, #tpu.memory_space<semaphore_mem>>)
      %dma_wait3A_482 = arith.constant 0 : i32
      %dma_wait3A_483 = tpu.memref_slice %arg2[%add3A_4, %dma_wait3A_482] : memref<25600x128xi32, #tpu.memory_space<hbm>> -> memref<4x128xi32, #tpu.memory_space<hbm>>
      %dma_wait3A_484 = arith.constant 0 : i32
      %dma_wait3A_485 = tpu.memref_slice %arg2[%add3A_4, %dma_wait3A_484] : memref<25600x128xi32, #tpu.memory_space<hbm>> -> memref<4x128xi32, #tpu.memory_space<hbm>>
      tpu.wait_dma2 semaphore(%run_scoped3A : memref<!tpu.dma_semaphore, #tpu.memory_space<semaphore_mem>>) src(%dma_wait3A_485 : memref<4x128xi32, #tpu.memory_space<hbm>>) dst(%arg5 : memref<4x128xi32, #tpu.memory_space<vmem>>)
      tpu.yield
    }) : () -> ()
    %dma_start3A = arith.constant 0 : i32
    %dma_start3A_5 = arith.constant 0 : i32
    %dma_start3A_6 = arith.constant 0 : i32
    %dma_start3A_7 = arith.constant 0 : i32
    %dma_start3A_8 = tpu.memref_slice %arg7[%dma_start3A_5, %dma_start3A_6, %dma_start3A_7] : memref<4x128x64xf32, #tpu.memory_space<vmem>> -> memref<1x128x64xf32, #tpu.memory_space<vmem>>
    %dma_start3A_9 = tpu.memref_squeeze %dma_start3A_8 : memref<1x128x64xf32, #tpu.memory_space<vmem>> -> memref<128x64xf32, #tpu.memory_space<vmem>>
    %dma_start3A_10 = arith.constant 0 : i32
    %dma_start3A_11 = tpu.memref_slice %arg5[%dma_start3A, %dma_start3A_10] : memref<4x128xi32, #tpu.memory_space<vmem>> -> memref<1x128xi32, #tpu.memory_space<vmem>>
    %dma_start3A_12 = tpu.memref_squeeze %dma_start3A_11 : memref<1x128xi32, #tpu.memory_space<vmem>> -> memref<128xi32, #tpu.memory_space<vmem>>
    %dma_start3A_13 = arith.constant 0 : i32
    %dma_start3A_14 = arith.constant 0 : i32
    %dma_start3A_15 = tpu.memref_slice %arg3[%dma_start3A_13, %dma_start3A_14] : memref<367x64xf32, #tpu.memory_space<hbm>> -> memref<367x64xf32, #tpu.memory_space<hbm>>
    tpu.enqueue_indirect_dma source(%dma_start3A_15 : memref<367x64xf32, #tpu.memory_space<hbm>>) target(%dma_start3A_9 : memref<128x64xf32, #tpu.memory_space<vmem>>) offsets(%dma_start3A_12 : memref<128xi32, #tpu.memory_space<vmem>>) semaphore(%arg9 : memref<!tpu.dma_semaphore, #tpu.memory_space<semaphore_mem>>)
    %dma_start3A_16 = arith.constant 1 : i32
    %dma_start3A_17 = arith.constant 1 : i32
    %dma_start3A_18 = arith.constant 0 : i32
    %dma_start3A_19 = arith.constant 0 : i32
    %dma_start3A_20 = tpu.memref_slice %arg7[%dma_start3A_17, %dma_start3A_18, %dma_start3A_19] : memref<4x128x64xf32, #tpu.memory_space<vmem>> -> memref<1x128x64xf32, #tpu.memory_space<vmem>>
    %dma_start3A_21 = tpu.memref_squeeze %dma_start3A_20 : memref<1x128x64xf32, #tpu.memory_space<vmem>> -> memref<128x64xf32, #tpu.memory_space<vmem>>
    %dma_start3A_22 = arith.constant 0 : i32
    %dma_start3A_23 = tpu.memref_slice %arg5[%dma_start3A_16, %dma_start3A_22] : memref<4x128xi32, #tpu.memory_space<vmem>> -> memref<1x128xi32, #tpu.memory_space<vmem>>
    %dma_start3A_24 = tpu.memref_squeeze %dma_start3A_23 : memref<1x128xi32, #tpu.memory_space<vmem>> -> memref<128xi32, #tpu.memory_space<vmem>>
    %dma_start3A_25 = arith.constant 0 : i32
    %dma_start3A_26 = arith.constant 0 : i32
    %dma_start3A_27 = tpu.memref_slice %arg3[%dma_start3A_25, %dma_start3A_26] : memref<367x64xf32, #tpu.memory_space<hbm>> -> memref<367x64xf32, #tpu.memory_space<hbm>>
    tpu.enqueue_indirect_dma source(%dma_start3A_27 : memref<367x64xf32, #tpu.memory_space<hbm>>) target(%dma_start3A_21 : memref<128x64xf32, #tpu.memory_space<vmem>>) offsets(%dma_start3A_24 : memref<128xi32, #tpu.memory_space<vmem>>) semaphore(%arg9 : memref<!tpu.dma_semaphore, #tpu.memory_space<semaphore_mem>>)
    %dma_start3A_28 = arith.constant 2 : i32
    %dma_start3A_29 = arith.constant 2 : i32
    %dma_start3A_30 = arith.constant 0 : i32
    %dma_start3A_31 = arith.constant 0 : i32
    %dma_start3A_32 = tpu.memref_slice %arg7[%dma_start3A_29, %dma_start3A_30, %dma_start3A_31] : memref<4x128x64xf32, #tpu.memory_space<vmem>> -> memref<1x128x64xf32, #tpu.memory_space<vmem>>
    %dma_start3A_33 = tpu.memref_squeeze %dma_start3A_32 : memref<1x128x64xf32, #tpu.memory_space<vmem>> -> memref<128x64xf32, #tpu.memory_space<vmem>>
    %dma_start3A_34 = arith.constant 0 : i32
    %dma_start3A_35 = tpu.memref_slice %arg5[%dma_start3A_28, %dma_start3A_34] : memref<4x128xi32, #tpu.memory_space<vmem>> -> memref<1x128xi32, #tpu.memory_space<vmem>>
    %dma_start3A_36 = tpu.memref_squeeze %dma_start3A_35 : memref<1x128xi32, #tpu.memory_space<vmem>> -> memref<128xi32, #tpu.memory_space<vmem>>
    %dma_start3A_37 = arith.constant 0 : i32
    %dma_start3A_38 = arith.constant 0 : i32
    %dma_start3A_39 = tpu.memref_slice %arg3[%dma_start3A_37, %dma_start3A_38] : memref<367x64xf32, #tpu.memory_space<hbm>> -> memref<367x64xf32, #tpu.memory_space<hbm>>
    tpu.enqueue_indirect_dma source(%dma_start3A_39 : memref<367x64xf32, #tpu.memory_space<hbm>>) target(%dma_start3A_33 : memref<128x64xf32, #tpu.memory_space<vmem>>) offsets(%dma_start3A_36 : memref<128xi32, #tpu.memory_space<vmem>>) semaphore(%arg9 : memref<!tpu.dma_semaphore, #tpu.memory_space<semaphore_mem>>)
    %dma_start3A_40 = arith.constant 3 : i32
    %dma_start3A_41 = arith.constant 3 : i32
    %dma_start3A_42 = arith.constant 0 : i32
    %dma_start3A_43 = arith.constant 0 : i32
    %dma_start3A_44 = tpu.memref_slice %arg7[%dma_start3A_41, %dma_start3A_42, %dma_start3A_43] : memref<4x128x64xf32, #tpu.memory_space<vmem>> -> memref<1x128x64xf32, #tpu.memory_space<vmem>>
    %dma_start3A_45 = tpu.memref_squeeze %dma_start3A_44 : memref<1x128x64xf32, #tpu.memory_space<vmem>> -> memref<128x64xf32, #tpu.memory_space<vmem>>
    %dma_start3A_46 = arith.constant 0 : i32
    %dma_start3A_47 = tpu.memref_slice %arg5[%dma_start3A_40, %dma_start3A_46] : memref<4x128xi32, #tpu.memory_space<vmem>> -> memref<1x128xi32, #tpu.memory_space<vmem>>
    %dma_start3A_48 = tpu.memref_squeeze %dma_start3A_47 : memref<1x128xi32, #tpu.memory_space<vmem>> -> memref<128xi32, #tpu.memory_space<vmem>>
    %dma_start3A_49 = arith.constant 0 : i32
    %dma_start3A_50 = arith.constant 0 : i32
    %dma_start3A_51 = tpu.memref_slice %arg3[%dma_start3A_49, %dma_start3A_50] : memref<367x64xf32, #tpu.memory_space<hbm>> -> memref<367x64xf32, #tpu.memory_space<hbm>>
    tpu.enqueue_indirect_dma source(%dma_start3A_51 : memref<367x64xf32, #tpu.memory_space<hbm>>) target(%dma_start3A_45 : memref<128x64xf32, #tpu.memory_space<vmem>>) offsets(%dma_start3A_48 : memref<128xi32, #tpu.memory_space<vmem>>) semaphore(%arg9 : memref<!tpu.dma_semaphore, #tpu.memory_space<semaphore_mem>>)
    %dma_wait3A = arith.constant 0 : i32
    %dma_wait3A_52 = arith.constant 0 : i32
    %dma_wait3A_53 = arith.constant 0 : i32
    %dma_wait3A_54 = arith.constant 0 : i32
    %dma_wait3A_55 = tpu.memref_slice %arg7[%dma_wait3A_52, %dma_wait3A_53, %dma_wait3A_54] : memref<4x128x64xf32, #tpu.memory_space<vmem>> -> memref<1x128x64xf32, #tpu.memory_space<vmem>>
    %dma_wait3A_56 = tpu.memref_squeeze %dma_wait3A_55 : memref<1x128x64xf32, #tpu.memory_space<vmem>> -> memref<128x64xf32, #tpu.memory_space<vmem>>
    %dma_wait3A_57 = arith.constant 0 : i32
    %dma_wait3A_58 = tpu.memref_slice %arg5[%dma_wait3A, %dma_wait3A_57] : memref<4x128xi32, #tpu.memory_space<vmem>> -> memref<1x128xi32, #tpu.memory_space<vmem>>
    %dma_wait3A_59 = tpu.memref_squeeze %dma_wait3A_58 : memref<1x128xi32, #tpu.memory_space<vmem>> -> memref<128xi32, #tpu.memory_space<vmem>>
    %dma_wait3A_60 = arith.constant 0 : i32
    %dma_wait3A_61 = arith.constant 0 : i32
    %dma_wait3A_62 = tpu.memref_slice %arg3[%dma_wait3A_60, %dma_wait3A_61] : memref<367x64xf32, #tpu.memory_space<hbm>> -> memref<367x64xf32, #tpu.memory_space<hbm>>
    tpu.wait_indirect_dma semaphore(%arg9 : memref<!tpu.dma_semaphore, #tpu.memory_space<semaphore_mem>>) src(%dma_wait3A_62 : memref<367x64xf32, #tpu.memory_space<hbm>>) dst(%dma_wait3A_56 : memref<128x64xf32, #tpu.memory_space<vmem>>)
    %dma_wait3A_63 = arith.constant 1 : i32
    %dma_wait3A_64 = arith.constant 1 : i32
    %dma_wait3A_65 = arith.constant 0 : i32
    %dma_wait3A_66 = arith.constant 0 : i32
    %dma_wait3A_67 = tpu.memref_slice %arg7[%dma_wait3A_64, %dma_wait3A_65, %dma_wait3A_66] : memref<4x128x64xf32, #tpu.memory_space<vmem>> -> memref<1x128x64xf32, #tpu.memory_space<vmem>>
    %dma_wait3A_68 = tpu.memref_squeeze %dma_wait3A_67 : memref<1x128x64xf32, #tpu.memory_space<vmem>> -> memref<128x64xf32, #tpu.memory_space<vmem>>
    %dma_wait3A_69 = arith.constant 0 : i32
    %dma_wait3A_70 = tpu.memref_slice %arg5[%dma_wait3A_63, %dma_wait3A_69] : memref<4x128xi32, #tpu.memory_space<vmem>> -> memref<1x128xi32, #tpu.memory_space<vmem>>
    %dma_wait3A_71 = tpu.memref_squeeze %dma_wait3A_70 : memref<1x128xi32, #tpu.memory_space<vmem>> -> memref<128xi32, #tpu.memory_space<vmem>>
    %dma_wait3A_72 = arith.constant 0 : i32
    %dma_wait3A_73 = arith.constant 0 : i32
    %dma_wait3A_74 = tpu.memref_slice %arg3[%dma_wait3A_72, %dma_wait3A_73] : memref<367x64xf32, #tpu.memory_space<hbm>> -> memref<367x64xf32, #tpu.memory_space<hbm>>
    tpu.wait_indirect_dma semaphore(%arg9 : memref<!tpu.dma_semaphore, #tpu.memory_space<semaphore_mem>>) src(%dma_wait3A_74 : memref<367x64xf32, #tpu.memory_space<hbm>>) dst(%dma_wait3A_68 : memref<128x64xf32, #tpu.memory_space<vmem>>)
    %dma_wait3A_75 = arith.constant 2 : i32
    %dma_wait3A_76 = arith.constant 2 : i32
    %dma_wait3A_77 = arith.constant 0 : i32
    %dma_wait3A_78 = arith.constant 0 : i32
    %dma_wait3A_79 = tpu.memref_slice %arg7[%dma_wait3A_76, %dma_wait3A_77, %dma_wait3A_78] : memref<4x128x64xf32, #tpu.memory_space<vmem>> -> memref<1x128x64xf32, #tpu.memory_space<vmem>>
    %dma_wait3A_80 = tpu.memref_squeeze %dma_wait3A_79 : memref<1x128x64xf32, #tpu.memory_space<vmem>> -> memref<128x64xf32, #tpu.memory_space<vmem>>
    %dma_wait3A_81 = arith.constant 0 : i32
    %dma_wait3A_82 = tpu.memref_slice %arg5[%dma_wait3A_75, %dma_wait3A_81] : memref<4x128xi32, #tpu.memory_space<vmem>> -> memref<1x128xi32, #tpu.memory_space<vmem>>
    %dma_wait3A_83 = tpu.memref_squeeze %dma_wait3A_82 : memref<1x128xi32, #tpu.memory_space<vmem>> -> memref<128xi32, #tpu.memory_space<vmem>>
    %dma_wait3A_84 = arith.constant 0 : i32
    %dma_wait3A_85 = arith.constant 0 : i32
    %dma_wait3A_86 = tpu.memref_slice %arg3[%dma_wait3A_84, %dma_wait3A_85] : memref<367x64xf32, #tpu.memory_space<hbm>> -> memref<367x64xf32, #tpu.memory_space<hbm>>
    tpu.wait_indirect_dma semaphore(%arg9 : memref<!tpu.dma_semaphore, #tpu.memory_space<semaphore_mem>>) src(%dma_wait3A_86 : memref<367x64xf32, #tpu.memory_space<hbm>>) dst(%dma_wait3A_80 : memref<128x64xf32, #tpu.memory_space<vmem>>)
    %dma_wait3A_87 = arith.constant 3 : i32
    %dma_wait3A_88 = arith.constant 3 : i32
    %dma_wait3A_89 = arith.constant 0 : i32
    %dma_wait3A_90 = arith.constant 0 : i32
    %dma_wait3A_91 = tpu.memref_slice %arg7[%dma_wait3A_88, %dma_wait3A_89, %dma_wait3A_90] : memref<4x128x64xf32, #tpu.memory_space<vmem>> -> memref<1x128x64xf32, #tpu.memory_space<vmem>>
    %dma_wait3A_92 = tpu.memref_squeeze %dma_wait3A_91 : memref<1x128x64xf32, #tpu.memory_space<vmem>> -> memref<128x64xf32, #tpu.memory_space<vmem>>
    %dma_wait3A_93 = arith.constant 0 : i32
    %dma_wait3A_94 = tpu.memref_slice %arg5[%dma_wait3A_87, %dma_wait3A_93] : memref<4x128xi32, #tpu.memory_space<vmem>> -> memref<1x128xi32, #tpu.memory_space<vmem>>
    %dma_wait3A_95 = tpu.memref_squeeze %dma_wait3A_94 : memref<1x128xi32, #tpu.memory_space<vmem>> -> memref<128xi32, #tpu.memory_space<vmem>>
    %dma_wait3A_96 = arith.constant 0 : i32
    %dma_wait3A_97 = arith.constant 0 : i32
    %dma_wait3A_98 = tpu.memref_slice %arg3[%dma_wait3A_96, %dma_wait3A_97] : memref<367x64xf32, #tpu.memory_space<hbm>> -> memref<367x64xf32, #tpu.memory_space<hbm>>
    tpu.wait_indirect_dma semaphore(%arg9 : memref<!tpu.dma_semaphore, #tpu.memory_space<semaphore_mem>>) src(%dma_wait3A_98 : memref<367x64xf32, #tpu.memory_space<hbm>>) dst(%dma_wait3A_92 : memref<128x64xf32, #tpu.memory_space<vmem>>)
    %add3A_99 = arith.constant 0 : i32
    %add3A_100 = arith.addi %add3A_4, %add3A_99 : i32
    %mul3A_101 = arith.constant 128 : i32
    %mul3A_102 = arith.muli %add3A_100, %mul3A_101 : i32
    %dma_start3A_103 = arith.constant 0 : i32
    %dma_start3A_104 = arith.constant 0 : i32
    %dma_start3A_105 = arith.constant 0 : i32
    %dma_start3A_106 = tpu.memref_slice %arg7[%dma_start3A_103, %dma_start3A_104, %dma_start3A_105] : memref<4x128x64xf32, #tpu.memory_space<vmem>> -> memref<1x128x64xf32, #tpu.memory_space<vmem>>
    %dma_start3A_107 = tpu.memref_squeeze %dma_start3A_106 : memref<1x128x64xf32, #tpu.memory_space<vmem>> -> memref<128x64xf32, #tpu.memory_space<vmem>>
    %dma_start3A_108 = arith.constant 0 : i32
    %dma_start3A_109 = tpu.memref_slice %arg4[%mul3A_102, %dma_start3A_108] : memref<3276800x64xf32, #tpu.memory_space<hbm>> -> memref<128x64xf32, #tpu.memory_space<hbm>>
    %dma_start3A_110 = arith.constant 0 : i32
    %dma_start3A_111 = tpu.memref_slice %arg4[%mul3A_102, %dma_start3A_110] : memref<3276800x64xf32, #tpu.memory_space<hbm>> -> memref<128x64xf32, #tpu.memory_space<hbm>>
    %dma_start3A_112 = arith.constant 0 : i32
    %dma_start3A_113 = arith.constant 0 : i32
    %dma_start3A_114 = tpu.memref_slice %arg7[%dma_start3A_103, %dma_start3A_112, %dma_start3A_113] : memref<4x128x64xf32, #tpu.memory_space<vmem>> -> memref<1x128x64xf32, #tpu.memory_space<vmem>>
    %dma_start3A_115 = tpu.memref_squeeze %dma_start3A_114 : memref<1x128x64xf32, #tpu.memory_space<vmem>> -> memref<128x64xf32, #tpu.memory_space<vmem>>
    tpu.enqueue_dma source(%dma_start3A_115 : memref<128x64xf32, #tpu.memory_space<vmem>>) target(%dma_start3A_111 : memref<128x64xf32, #tpu.memory_space<hbm>>) target_semaphore(%arg11 : memref<!tpu.dma_semaphore, #tpu.memory_space<semaphore_mem>>)
    %add3A_116 = arith.constant 1 : i32
    %add3A_117 = arith.addi %add3A_4, %add3A_116 : i32
    %mul3A_118 = arith.constant 128 : i32
    %mul3A_119 = arith.muli %add3A_117, %mul3A_118 : i32
    %dma_start3A_120 = arith.constant 1 : i32
    %dma_start3A_121 = arith.constant 0 : i32
    %dma_start3A_122 = arith.constant 0 : i32
    %dma_start3A_123 = tpu.memref_slice %arg7[%dma_start3A_120, %dma_start3A_121, %dma_start3A_122] : memref<4x128x64xf32, #tpu.memory_space<vmem>> -> memref<1x128x64xf32, #tpu.memory_space<vmem>>
    %dma_start3A_124 = tpu.memref_squeeze %dma_start3A_123 : memref<1x128x64xf32, #tpu.memory_space<vmem>> -> memref<128x64xf32, #tpu.memory_space<vmem>>
    %dma_start3A_125 = arith.constant 0 : i32
    %dma_start3A_126 = tpu.memref_slice %arg4[%mul3A_119, %dma_start3A_125] : memref<3276800x64xf32, #tpu.memory_space<hbm>> -> memref<128x64xf32, #tpu.memory_space<hbm>>
    %dma_start3A_127 = arith.constant 0 : i32
    %dma_start3A_128 = tpu.memref_slice %arg4[%mul3A_119, %dma_start3A_127] : memref<3276800x64xf32, #tpu.memory_space<hbm>> -> memref<128x64xf32, #tpu.memory_space<hbm>>
    %dma_start3A_129 = arith.constant 0 : i32
    %dma_start3A_130 = arith.constant 0 : i32
    %dma_start3A_131 = tpu.memref_slice %arg7[%dma_start3A_120, %dma_start3A_129, %dma_start3A_130] : memref<4x128x64xf32, #tpu.memory_space<vmem>> -> memref<1x128x64xf32, #tpu.memory_space<vmem>>
    %dma_start3A_132 = tpu.memref_squeeze %dma_start3A_131 : memref<1x128x64xf32, #tpu.memory_space<vmem>> -> memref<128x64xf32, #tpu.memory_space<vmem>>
    tpu.enqueue_dma source(%dma_start3A_132 : memref<128x64xf32, #tpu.memory_space<vmem>>) target(%dma_start3A_128 : memref<128x64xf32, #tpu.memory_space<hbm>>) target_semaphore(%arg11 : memref<!tpu.dma_semaphore, #tpu.memory_space<semaphore_mem>>)
    %add3A_133 = arith.constant 2 : i32
    %add3A_134 = arith.addi %add3A_4, %add3A_133 : i32
    %mul3A_135 = arith.constant 128 : i32
    %mul3A_136 = arith.muli %add3A_134, %mul3A_135 : i32
    %dma_start3A_137 = arith.constant 2 : i32
    %dma_start3A_138 = arith.constant 0 : i32
    %dma_start3A_139 = arith.constant 0 : i32
    %dma_start3A_140 = tpu.memref_slice %arg7[%dma_start3A_137, %dma_start3A_138, %dma_start3A_139] : memref<4x128x64xf32, #tpu.memory_space<vmem>> -> memref<1x128x64xf32, #tpu.memory_space<vmem>>
    %dma_start3A_141 = tpu.memref_squeeze %dma_start3A_140 : memref<1x128x64xf32, #tpu.memory_space<vmem>> -> memref<128x64xf32, #tpu.memory_space<vmem>>
    %dma_start3A_142 = arith.constant 0 : i32
    %dma_start3A_143 = tpu.memref_slice %arg4[%mul3A_136, %dma_start3A_142] : memref<3276800x64xf32, #tpu.memory_space<hbm>> -> memref<128x64xf32, #tpu.memory_space<hbm>>
    %dma_start3A_144 = arith.constant 0 : i32
    %dma_start3A_145 = tpu.memref_slice %arg4[%mul3A_136, %dma_start3A_144] : memref<3276800x64xf32, #tpu.memory_space<hbm>> -> memref<128x64xf32, #tpu.memory_space<hbm>>
    %dma_start3A_146 = arith.constant 0 : i32
    %dma_start3A_147 = arith.constant 0 : i32
    %dma_start3A_148 = tpu.memref_slice %arg7[%dma_start3A_137, %dma_start3A_146, %dma_start3A_147] : memref<4x128x64xf32, #tpu.memory_space<vmem>> -> memref<1x128x64xf32, #tpu.memory_space<vmem>>
    %dma_start3A_149 = tpu.memref_squeeze %dma_start3A_148 : memref<1x128x64xf32, #tpu.memory_space<vmem>> -> memref<128x64xf32, #tpu.memory_space<vmem>>
    tpu.enqueue_dma source(%dma_start3A_149 : memref<128x64xf32, #tpu.memory_space<vmem>>) target(%dma_start3A_145 : memref<128x64xf32, #tpu.memory_space<hbm>>) target_semaphore(%arg11 : memref<!tpu.dma_semaphore, #tpu.memory_space<semaphore_mem>>)
    %add3A_150 = arith.constant 3 : i32
    %add3A_151 = arith.addi %add3A_4, %add3A_150 : i32
    %mul3A_152 = arith.constant 128 : i32
    %mul3A_153 = arith.muli %add3A_151, %mul3A_152 : i32
    %dma_start3A_154 = arith.constant 3 : i32
    %dma_start3A_155 = arith.constant 0 : i32
    %dma_start3A_156 = arith.constant 0 : i32
    %dma_start3A_157 = tpu.memref_slice %arg7[%dma_start3A_154, %dma_start3A_155, %dma_start3A_156] : memref<4x128x64xf32, #tpu.memory_space<vmem>> -> memref<1x128x64xf32, #tpu.memory_space<vmem>>
    %dma_start3A_158 = tpu.memref_squeeze %dma_start3A_157 : memref<1x128x64xf32, #tpu.memory_space<vmem>> -> memref<128x64xf32, #tpu.memory_space<vmem>>
    %dma_start3A_159 = arith.constant 0 : i32
    %dma_start3A_160 = tpu.memref_slice %arg4[%mul3A_153, %dma_start3A_159] : memref<3276800x64xf32, #tpu.memory_space<hbm>> -> memref<128x64xf32, #tpu.memory_space<hbm>>
    %dma_start3A_161 = arith.constant 0 : i32
    %dma_start3A_162 = tpu.memref_slice %arg4[%mul3A_153, %dma_start3A_161] : memref<3276800x64xf32, #tpu.memory_space<hbm>> -> memref<128x64xf32, #tpu.memory_space<hbm>>
    %dma_start3A_163 = arith.constant 0 : i32
    %dma_start3A_164 = arith.constant 0 : i32
    %dma_start3A_165 = tpu.memref_slice %arg7[%dma_start3A_154, %dma_start3A_163, %dma_start3A_164] : memref<4x128x64xf32, #tpu.memory_space<vmem>> -> memref<1x128x64xf32, #tpu.memory_space<vmem>>
    %dma_start3A_166 = tpu.memref_squeeze %dma_start3A_165 : memref<1x128x64xf32, #tpu.memory_space<vmem>> -> memref<128x64xf32, #tpu.memory_space<vmem>>
    tpu.enqueue_dma source(%dma_start3A_166 : memref<128x64xf32, #tpu.memory_space<vmem>>) target(%dma_start3A_162 : memref<128x64xf32, #tpu.memory_space<hbm>>) target_semaphore(%arg11 : memref<!tpu.dma_semaphore, #tpu.memory_space<semaphore_mem>>)
    %add3A_167 = arith.constant 4 : i32
    %add3A_168 = arith.addi %mul3A_2, %add3A_167 : i32
    "tpu.region"() ({
      %run_scoped3A = tpu.sem_alloc : memref<!tpu.dma_semaphore, #tpu.memory_space<semaphore_mem>>
      %dma_start3A_478 = arith.constant 0 : i32
      %dma_start3A_479 = tpu.memref_slice %arg2[%add3A_168, %dma_start3A_478] : memref<25600x128xi32, #tpu.memory_space<hbm>> -> memref<4x128xi32, #tpu.memory_space<hbm>>
      %dma_start3A_480 = arith.constant 0 : i32
      %dma_start3A_481 = tpu.memref_slice %arg2[%add3A_168, %dma_start3A_480] : memref<25600x128xi32, #tpu.memory_space<hbm>> -> memref<4x128xi32, #tpu.memory_space<hbm>>
      tpu.enqueue_dma source(%dma_start3A_481 : memref<4x128xi32, #tpu.memory_space<hbm>>) target(%arg6 : memref<4x128xi32, #tpu.memory_space<vmem>>) target_semaphore(%run_scoped3A : memref<!tpu.dma_semaphore, #tpu.memory_space<semaphore_mem>>)
      %dma_wait3A_482 = arith.constant 0 : i32
      %dma_wait3A_483 = tpu.memref_slice %arg2[%add3A_168, %dma_wait3A_482] : memref<25600x128xi32, #tpu.memory_space<hbm>> -> memref<4x128xi32, #tpu.memory_space<hbm>>
      %dma_wait3A_484 = arith.constant 0 : i32
      %dma_wait3A_485 = tpu.memref_slice %arg2[%add3A_168, %dma_wait3A_484] : memref<25600x128xi32, #tpu.memory_space<hbm>> -> memref<4x128xi32, #tpu.memory_space<hbm>>
      tpu.wait_dma2 semaphore(%run_scoped3A : memref<!tpu.dma_semaphore, #tpu.memory_space<semaphore_mem>>) src(%dma_wait3A_485 : memref<4x128xi32, #tpu.memory_space<hbm>>) dst(%arg6 : memref<4x128xi32, #tpu.memory_space<vmem>>)
      tpu.yield
    }) : () -> ()
    %dma_start3A_169 = arith.constant 0 : i32
    %dma_start3A_170 = arith.constant 0 : i32
    %dma_start3A_171 = arith.constant 0 : i32
    %dma_start3A_172 = arith.constant 0 : i32
    %dma_start3A_173 = tpu.memref_slice %arg8[%dma_start3A_170, %dma_start3A_171, %dma_start3A_172] : memref<4x128x64xf32, #tpu.memory_space<vmem>> -> memref<1x128x64xf32, #tpu.memory_space<vmem>>
    %dma_start3A_174 = tpu.memref_squeeze %dma_start3A_173 : memref<1x128x64xf32, #tpu.memory_space<vmem>> -> memref<128x64xf32, #tpu.memory_space<vmem>>
    %dma_start3A_175 = arith.constant 0 : i32
    %dma_start3A_176 = tpu.memref_slice %arg6[%dma_start3A_169, %dma_start3A_175] : memref<4x128xi32, #tpu.memory_space<vmem>> -> memref<1x128xi32, #tpu.memory_space<vmem>>
    %dma_start3A_177 = tpu.memref_squeeze %dma_start3A_176 : memref<1x128xi32, #tpu.memory_space<vmem>> -> memref<128xi32, #tpu.memory_space<vmem>>
    %dma_start3A_178 = arith.constant 0 : i32
    %dma_start3A_179 = arith.constant 0 : i32
    %dma_start3A_180 = tpu.memref_slice %arg3[%dma_start3A_178, %dma_start3A_179] : memref<367x64xf32, #tpu.memory_space<hbm>> -> memref<367x64xf32, #tpu.memory_space<hbm>>
    tpu.enqueue_indirect_dma source(%dma_start3A_180 : memref<367x64xf32, #tpu.memory_space<hbm>>) target(%dma_start3A_174 : memref<128x64xf32, #tpu.memory_space<vmem>>) offsets(%dma_start3A_177 : memref<128xi32, #tpu.memory_space<vmem>>) semaphore(%arg10 : memref<!tpu.dma_semaphore, #tpu.memory_space<semaphore_mem>>)
    %dma_start3A_181 = arith.constant 1 : i32
    %dma_start3A_182 = arith.constant 1 : i32
    %dma_start3A_183 = arith.constant 0 : i32
    %dma_start3A_184 = arith.constant 0 : i32
    %dma_start3A_185 = tpu.memref_slice %arg8[%dma_start3A_182, %dma_start3A_183, %dma_start3A_184] : memref<4x128x64xf32, #tpu.memory_space<vmem>> -> memref<1x128x64xf32, #tpu.memory_space<vmem>>
    %dma_start3A_186 = tpu.memref_squeeze %dma_start3A_185 : memref<1x128x64xf32, #tpu.memory_space<vmem>> -> memref<128x64xf32, #tpu.memory_space<vmem>>
    %dma_start3A_187 = arith.constant 0 : i32
    %dma_start3A_188 = tpu.memref_slice %arg6[%dma_start3A_181, %dma_start3A_187] : memref<4x128xi32, #tpu.memory_space<vmem>> -> memref<1x128xi32, #tpu.memory_space<vmem>>
    %dma_start3A_189 = tpu.memref_squeeze %dma_start3A_188 : memref<1x128xi32, #tpu.memory_space<vmem>> -> memref<128xi32, #tpu.memory_space<vmem>>
    %dma_start3A_190 = arith.constant 0 : i32
    %dma_start3A_191 = arith.constant 0 : i32
    %dma_start3A_192 = tpu.memref_slice %arg3[%dma_start3A_190, %dma_start3A_191] : memref<367x64xf32, #tpu.memory_space<hbm>> -> memref<367x64xf32, #tpu.memory_space<hbm>>
    tpu.enqueue_indirect_dma source(%dma_start3A_192 : memref<367x64xf32, #tpu.memory_space<hbm>>) target(%dma_start3A_186 : memref<128x64xf32, #tpu.memory_space<vmem>>) offsets(%dma_start3A_189 : memref<128xi32, #tpu.memory_space<vmem>>) semaphore(%arg10 : memref<!tpu.dma_semaphore, #tpu.memory_space<semaphore_mem>>)
    %dma_start3A_193 = arith.constant 2 : i32
    %dma_start3A_194 = arith.constant 2 : i32
    %dma_start3A_195 = arith.constant 0 : i32
    %dma_start3A_196 = arith.constant 0 : i32
    %dma_start3A_197 = tpu.memref_slice %arg8[%dma_start3A_194, %dma_start3A_195, %dma_start3A_196] : memref<4x128x64xf32, #tpu.memory_space<vmem>> -> memref<1x128x64xf32, #tpu.memory_space<vmem>>
    %dma_start3A_198 = tpu.memref_squeeze %dma_start3A_197 : memref<1x128x64xf32, #tpu.memory_space<vmem>> -> memref<128x64xf32, #tpu.memory_space<vmem>>
    %dma_start3A_199 = arith.constant 0 : i32
    %dma_start3A_200 = tpu.memref_slice %arg6[%dma_start3A_193, %dma_start3A_199] : memref<4x128xi32, #tpu.memory_space<vmem>> -> memref<1x128xi32, #tpu.memory_space<vmem>>
    %dma_start3A_201 = tpu.memref_squeeze %dma_start3A_200 : memref<1x128xi32, #tpu.memory_space<vmem>> -> memref<128xi32, #tpu.memory_space<vmem>>
    %dma_start3A_202 = arith.constant 0 : i32
    %dma_start3A_203 = arith.constant 0 : i32
    %dma_start3A_204 = tpu.memref_slice %arg3[%dma_start3A_202, %dma_start3A_203] : memref<367x64xf32, #tpu.memory_space<hbm>> -> memref<367x64xf32, #tpu.memory_space<hbm>>
    tpu.enqueue_indirect_dma source(%dma_start3A_204 : memref<367x64xf32, #tpu.memory_space<hbm>>) target(%dma_start3A_198 : memref<128x64xf32, #tpu.memory_space<vmem>>) offsets(%dma_start3A_201 : memref<128xi32, #tpu.memory_space<vmem>>) semaphore(%arg10 : memref<!tpu.dma_semaphore, #tpu.memory_space<semaphore_mem>>)
    %dma_start3A_205 = arith.constant 3 : i32
    %dma_start3A_206 = arith.constant 3 : i32
    %dma_start3A_207 = arith.constant 0 : i32
    %dma_start3A_208 = arith.constant 0 : i32
    %dma_start3A_209 = tpu.memref_slice %arg8[%dma_start3A_206, %dma_start3A_207, %dma_start3A_208] : memref<4x128x64xf32, #tpu.memory_space<vmem>> -> memref<1x128x64xf32, #tpu.memory_space<vmem>>
    %dma_start3A_210 = tpu.memref_squeeze %dma_start3A_209 : memref<1x128x64xf32, #tpu.memory_space<vmem>> -> memref<128x64xf32, #tpu.memory_space<vmem>>
    %dma_start3A_211 = arith.constant 0 : i32
    %dma_start3A_212 = tpu.memref_slice %arg6[%dma_start3A_205, %dma_start3A_211] : memref<4x128xi32, #tpu.memory_space<vmem>> -> memref<1x128xi32, #tpu.memory_space<vmem>>
    %dma_start3A_213 = tpu.memref_squeeze %dma_start3A_212 : memref<1x128xi32, #tpu.memory_space<vmem>> -> memref<128xi32, #tpu.memory_space<vmem>>
    %dma_start3A_214 = arith.constant 0 : i32
    %dma_start3A_215 = arith.constant 0 : i32
    %dma_start3A_216 = tpu.memref_slice %arg3[%dma_start3A_214, %dma_start3A_215] : memref<367x64xf32, #tpu.memory_space<hbm>> -> memref<367x64xf32, #tpu.memory_space<hbm>>
    tpu.enqueue_indirect_dma source(%dma_start3A_216 : memref<367x64xf32, #tpu.memory_space<hbm>>) target(%dma_start3A_210 : memref<128x64xf32, #tpu.memory_space<vmem>>) offsets(%dma_start3A_213 : memref<128xi32, #tpu.memory_space<vmem>>) semaphore(%arg10 : memref<!tpu.dma_semaphore, #tpu.memory_space<semaphore_mem>>)
    %dma_wait3A_217 = arith.constant 0 : i32
    %dma_wait3A_218 = arith.constant 0 : i32
    %dma_wait3A_219 = arith.constant 0 : i32
    %dma_wait3A_220 = arith.constant 0 : i32
    %dma_wait3A_221 = tpu.memref_slice %arg8[%dma_wait3A_218, %dma_wait3A_219, %dma_wait3A_220] : memref<4x128x64xf32, #tpu.memory_space<vmem>> -> memref<1x128x64xf32, #tpu.memory_space<vmem>>
    %dma_wait3A_222 = tpu.memref_squeeze %dma_wait3A_221 : memref<1x128x64xf32, #tpu.memory_space<vmem>> -> memref<128x64xf32, #tpu.memory_space<vmem>>
    %dma_wait3A_223 = arith.constant 0 : i32
    %dma_wait3A_224 = tpu.memref_slice %arg6[%dma_wait3A_217, %dma_wait3A_223] : memref<4x128xi32, #tpu.memory_space<vmem>> -> memref<1x128xi32, #tpu.memory_space<vmem>>
    %dma_wait3A_225 = tpu.memref_squeeze %dma_wait3A_224 : memref<1x128xi32, #tpu.memory_space<vmem>> -> memref<128xi32, #tpu.memory_space<vmem>>
    %dma_wait3A_226 = arith.constant 0 : i32
    %dma_wait3A_227 = arith.constant 0 : i32
    %dma_wait3A_228 = tpu.memref_slice %arg3[%dma_wait3A_226, %dma_wait3A_227] : memref<367x64xf32, #tpu.memory_space<hbm>> -> memref<367x64xf32, #tpu.memory_space<hbm>>
    tpu.wait_indirect_dma semaphore(%arg10 : memref<!tpu.dma_semaphore, #tpu.memory_space<semaphore_mem>>) src(%dma_wait3A_228 : memref<367x64xf32, #tpu.memory_space<hbm>>) dst(%dma_wait3A_222 : memref<128x64xf32, #tpu.memory_space<vmem>>)
    %dma_wait3A_229 = arith.constant 1 : i32
    %dma_wait3A_230 = arith.constant 1 : i32
    %dma_wait3A_231 = arith.constant 0 : i32
    %dma_wait3A_232 = arith.constant 0 : i32
    %dma_wait3A_233 = tpu.memref_slice %arg8[%dma_wait3A_230, %dma_wait3A_231, %dma_wait3A_232] : memref<4x128x64xf32, #tpu.memory_space<vmem>> -> memref<1x128x64xf32, #tpu.memory_space<vmem>>
    %dma_wait3A_234 = tpu.memref_squeeze %dma_wait3A_233 : memref<1x128x64xf32, #tpu.memory_space<vmem>> -> memref<128x64xf32, #tpu.memory_space<vmem>>
    %dma_wait3A_235 = arith.constant 0 : i32
    %dma_wait3A_236 = tpu.memref_slice %arg6[%dma_wait3A_229, %dma_wait3A_235] : memref<4x128xi32, #tpu.memory_space<vmem>> -> memref<1x128xi32, #tpu.memory_space<vmem>>
    %dma_wait3A_237 = tpu.memref_squeeze %dma_wait3A_236 : memref<1x128xi32, #tpu.memory_space<vmem>> -> memref<128xi32, #tpu.memory_space<vmem>>
    %dma_wait3A_238 = arith.constant 0 : i32
    %dma_wait3A_239 = arith.constant 0 : i32
    %dma_wait3A_240 = tpu.memref_slice %arg3[%dma_wait3A_238, %dma_wait3A_239] : memref<367x64xf32, #tpu.memory_space<hbm>> -> memref<367x64xf32, #tpu.memory_space<hbm>>
    tpu.wait_indirect_dma semaphore(%arg10 : memref<!tpu.dma_semaphore, #tpu.memory_space<semaphore_mem>>) src(%dma_wait3A_240 : memref<367x64xf32, #tpu.memory_space<hbm>>) dst(%dma_wait3A_234 : memref<128x64xf32, #tpu.memory_space<vmem>>)
    %dma_wait3A_241 = arith.constant 2 : i32
    %dma_wait3A_242 = arith.constant 2 : i32
    %dma_wait3A_243 = arith.constant 0 : i32
    %dma_wait3A_244 = arith.constant 0 : i32
    %dma_wait3A_245 = tpu.memref_slice %arg8[%dma_wait3A_242, %dma_wait3A_243, %dma_wait3A_244] : memref<4x128x64xf32, #tpu.memory_space<vmem>> -> memref<1x128x64xf32, #tpu.memory_space<vmem>>
    %dma_wait3A_246 = tpu.memref_squeeze %dma_wait3A_245 : memref<1x128x64xf32, #tpu.memory_space<vmem>> -> memref<128x64xf32, #tpu.memory_space<vmem>>
    %dma_wait3A_247 = arith.constant 0 : i32
    %dma_wait3A_248 = tpu.memref_slice %arg6[%dma_wait3A_241, %dma_wait3A_247] : memref<4x128xi32, #tpu.memory_space<vmem>> -> memref<1x128xi32, #tpu.memory_space<vmem>>
    %dma_wait3A_249 = tpu.memref_squeeze %dma_wait3A_248 : memref<1x128xi32, #tpu.memory_space<vmem>> -> memref<128xi32, #tpu.memory_space<vmem>>
    %dma_wait3A_250 = arith.constant 0 : i32
    %dma_wait3A_251 = arith.constant 0 : i32
    %dma_wait3A_252 = tpu.memref_slice %arg3[%dma_wait3A_250, %dma_wait3A_251] : memref<367x64xf32, #tpu.memory_space<hbm>> -> memref<367x64xf32, #tpu.memory_space<hbm>>
    tpu.wait_indirect_dma semaphore(%arg10 : memref<!tpu.dma_semaphore, #tpu.memory_space<semaphore_mem>>) src(%dma_wait3A_252 : memref<367x64xf32, #tpu.memory_space<hbm>>) dst(%dma_wait3A_246 : memref<128x64xf32, #tpu.memory_space<vmem>>)
    %dma_wait3A_253 = arith.constant 3 : i32
    %dma_wait3A_254 = arith.constant 3 : i32
    %dma_wait3A_255 = arith.constant 0 : i32
    %dma_wait3A_256 = arith.constant 0 : i32
    %dma_wait3A_257 = tpu.memref_slice %arg8[%dma_wait3A_254, %dma_wait3A_255, %dma_wait3A_256] : memref<4x128x64xf32, #tpu.memory_space<vmem>> -> memref<1x128x64xf32, #tpu.memory_space<vmem>>
    %dma_wait3A_258 = tpu.memref_squeeze %dma_wait3A_257 : memref<1x128x64xf32, #tpu.memory_space<vmem>> -> memref<128x64xf32, #tpu.memory_space<vmem>>
    %dma_wait3A_259 = arith.constant 0 : i32
    %dma_wait3A_260 = tpu.memref_slice %arg6[%dma_wait3A_253, %dma_wait3A_259] : memref<4x128xi32, #tpu.memory_space<vmem>> -> memref<1x128xi32, #tpu.memory_space<vmem>>
    %dma_wait3A_261 = tpu.memref_squeeze %dma_wait3A_260 : memref<1x128xi32, #tpu.memory_space<vmem>> -> memref<128xi32, #tpu.memory_space<vmem>>
    %dma_wait3A_262 = arith.constant 0 : i32
    %dma_wait3A_263 = arith.constant 0 : i32
    %dma_wait3A_264 = tpu.memref_slice %arg3[%dma_wait3A_262, %dma_wait3A_263] : memref<367x64xf32, #tpu.memory_space<hbm>> -> memref<367x64xf32, #tpu.memory_space<hbm>>
    tpu.wait_indirect_dma semaphore(%arg10 : memref<!tpu.dma_semaphore, #tpu.memory_space<semaphore_mem>>) src(%dma_wait3A_264 : memref<367x64xf32, #tpu.memory_space<hbm>>) dst(%dma_wait3A_258 : memref<128x64xf32, #tpu.memory_space<vmem>>)
    %add3A_265 = arith.constant 0 : i32
    %add3A_266 = arith.addi %add3A_168, %add3A_265 : i32
    %mul3A_267 = arith.constant 128 : i32
    %mul3A_268 = arith.muli %add3A_266, %mul3A_267 : i32
    %dma_start3A_269 = arith.constant 0 : i32
    %dma_start3A_270 = arith.constant 0 : i32
    %dma_start3A_271 = arith.constant 0 : i32
    %dma_start3A_272 = tpu.memref_slice %arg8[%dma_start3A_269, %dma_start3A_270, %dma_start3A_271] : memref<4x128x64xf32, #tpu.memory_space<vmem>> -> memref<1x128x64xf32, #tpu.memory_space<vmem>>
    %dma_start3A_273 = tpu.memref_squeeze %dma_start3A_272 : memref<1x128x64xf32, #tpu.memory_space<vmem>> -> memref<128x64xf32, #tpu.memory_space<vmem>>
    %dma_start3A_274 = arith.constant 0 : i32
    %dma_start3A_275 = tpu.memref_slice %arg4[%mul3A_268, %dma_start3A_274] : memref<3276800x64xf32, #tpu.memory_space<hbm>> -> memref<128x64xf32, #tpu.memory_space<hbm>>
    %dma_start3A_276 = arith.constant 0 : i32
    %dma_start3A_277 = tpu.memref_slice %arg4[%mul3A_268, %dma_start3A_276] : memref<3276800x64xf32, #tpu.memory_space<hbm>> -> memref<128x64xf32, #tpu.memory_space<hbm>>
    %dma_start3A_278 = arith.constant 0 : i32
    %dma_start3A_279 = arith.constant 0 : i32
    %dma_start3A_280 = tpu.memref_slice %arg8[%dma_start3A_269, %dma_start3A_278, %dma_start3A_279] : memref<4x128x64xf32, #tpu.memory_space<vmem>> -> memref<1x128x64xf32, #tpu.memory_space<vmem>>
    %dma_start3A_281 = tpu.memref_squeeze %dma_start3A_280 : memref<1x128x64xf32, #tpu.memory_space<vmem>> -> memref<128x64xf32, #tpu.memory_space<vmem>>
    tpu.enqueue_dma source(%dma_start3A_281 : memref<128x64xf32, #tpu.memory_space<vmem>>) target(%dma_start3A_277 : memref<128x64xf32, #tpu.memory_space<hbm>>) target_semaphore(%arg12 : memref<!tpu.dma_semaphore, #tpu.memory_space<semaphore_mem>>)
    %add3A_282 = arith.constant 1 : i32
    %add3A_283 = arith.addi %add3A_168, %add3A_282 : i32
    %mul3A_284 = arith.constant 128 : i32
    %mul3A_285 = arith.muli %add3A_283, %mul3A_284 : i32
    %dma_start3A_286 = arith.constant 1 : i32
    %dma_start3A_287 = arith.constant 0 : i32
    %dma_start3A_288 = arith.constant 0 : i32
    %dma_start3A_289 = tpu.memref_slice %arg8[%dma_start3A_286, %dma_start3A_287, %dma_start3A_288] : memref<4x128x64xf32, #tpu.memory_space<vmem>> -> memref<1x128x64xf32, #tpu.memory_space<vmem>>
    %dma_start3A_290 = tpu.memref_squeeze %dma_start3A_289 : memref<1x128x64xf32, #tpu.memory_space<vmem>> -> memref<128x64xf32, #tpu.memory_space<vmem>>
    %dma_start3A_291 = arith.constant 0 : i32
    %dma_start3A_292 = tpu.memref_slice %arg4[%mul3A_285, %dma_start3A_291] : memref<3276800x64xf32, #tpu.memory_space<hbm>> -> memref<128x64xf32, #tpu.memory_space<hbm>>
    %dma_start3A_293 = arith.constant 0 : i32
    %dma_start3A_294 = tpu.memref_slice %arg4[%mul3A_285, %dma_start3A_293] : memref<3276800x64xf32, #tpu.memory_space<hbm>> -> memref<128x64xf32, #tpu.memory_space<hbm>>
    %dma_start3A_295 = arith.constant 0 : i32
    %dma_start3A_296 = arith.constant 0 : i32
    %dma_start3A_297 = tpu.memref_slice %arg8[%dma_start3A_286, %dma_start3A_295, %dma_start3A_296] : memref<4x128x64xf32, #tpu.memory_space<vmem>> -> memref<1x128x64xf32, #tpu.memory_space<vmem>>
    %dma_start3A_298 = tpu.memref_squeeze %dma_start3A_297 : memref<1x128x64xf32, #tpu.memory_space<vmem>> -> memref<128x64xf32, #tpu.memory_space<vmem>>
    tpu.enqueue_dma source(%dma_start3A_298 : memref<128x64xf32, #tpu.memory_space<vmem>>) target(%dma_start3A_294 : memref<128x64xf32, #tpu.memory_space<hbm>>) target_semaphore(%arg12 : memref<!tpu.dma_semaphore, #tpu.memory_space<semaphore_mem>>)
    %add3A_299 = arith.constant 2 : i32
    %add3A_300 = arith.addi %add3A_168, %add3A_299 : i32
    %mul3A_301 = arith.constant 128 : i32
    %mul3A_302 = arith.muli %add3A_300, %mul3A_301 : i32
    %dma_start3A_303 = arith.constant 2 : i32
    %dma_start3A_304 = arith.constant 0 : i32
    %dma_start3A_305 = arith.constant 0 : i32
    %dma_start3A_306 = tpu.memref_slice %arg8[%dma_start3A_303, %dma_start3A_304, %dma_start3A_305] : memref<4x128x64xf32, #tpu.memory_space<vmem>> -> memref<1x128x64xf32, #tpu.memory_space<vmem>>
    %dma_start3A_307 = tpu.memref_squeeze %dma_start3A_306 : memref<1x128x64xf32, #tpu.memory_space<vmem>> -> memref<128x64xf32, #tpu.memory_space<vmem>>
    %dma_start3A_308 = arith.constant 0 : i32
    %dma_start3A_309 = tpu.memref_slice %arg4[%mul3A_302, %dma_start3A_308] : memref<3276800x64xf32, #tpu.memory_space<hbm>> -> memref<128x64xf32, #tpu.memory_space<hbm>>
    %dma_start3A_310 = arith.constant 0 : i32
    %dma_start3A_311 = tpu.memref_slice %arg4[%mul3A_302, %dma_start3A_310] : memref<3276800x64xf32, #tpu.memory_space<hbm>> -> memref<128x64xf32, #tpu.memory_space<hbm>>
    %dma_start3A_312 = arith.constant 0 : i32
    %dma_start3A_313 = arith.constant 0 : i32
    %dma_start3A_314 = tpu.memref_slice %arg8[%dma_start3A_303, %dma_start3A_312, %dma_start3A_313] : memref<4x128x64xf32, #tpu.memory_space<vmem>> -> memref<1x128x64xf32, #tpu.memory_space<vmem>>
    %dma_start3A_315 = tpu.memref_squeeze %dma_start3A_314 : memref<1x128x64xf32, #tpu.memory_space<vmem>> -> memref<128x64xf32, #tpu.memory_space<vmem>>
    tpu.enqueue_dma source(%dma_start3A_315 : memref<128x64xf32, #tpu.memory_space<vmem>>) target(%dma_start3A_311 : memref<128x64xf32, #tpu.memory_space<hbm>>) target_semaphore(%arg12 : memref<!tpu.dma_semaphore, #tpu.memory_space<semaphore_mem>>)
    %add3A_316 = arith.constant 3 : i32
    %add3A_317 = arith.addi %add3A_168, %add3A_316 : i32
    %mul3A_318 = arith.constant 128 : i32
    %mul3A_319 = arith.muli %add3A_317, %mul3A_318 : i32
    %dma_start3A_320 = arith.constant 3 : i32
    %dma_start3A_321 = arith.constant 0 : i32
    %dma_start3A_322 = arith.constant 0 : i32
    %dma_start3A_323 = tpu.memref_slice %arg8[%dma_start3A_320, %dma_start3A_321, %dma_start3A_322] : memref<4x128x64xf32, #tpu.memory_space<vmem>> -> memref<1x128x64xf32, #tpu.memory_space<vmem>>
    %dma_start3A_324 = tpu.memref_squeeze %dma_start3A_323 : memref<1x128x64xf32, #tpu.memory_space<vmem>> -> memref<128x64xf32, #tpu.memory_space<vmem>>
    %dma_start3A_325 = arith.constant 0 : i32
    %dma_start3A_326 = tpu.memref_slice %arg4[%mul3A_319, %dma_start3A_325] : memref<3276800x64xf32, #tpu.memory_space<hbm>> -> memref<128x64xf32, #tpu.memory_space<hbm>>
    %dma_start3A_327 = arith.constant 0 : i32
    %dma_start3A_328 = tpu.memref_slice %arg4[%mul3A_319, %dma_start3A_327] : memref<3276800x64xf32, #tpu.memory_space<hbm>> -> memref<128x64xf32, #tpu.memory_space<hbm>>
    %dma_start3A_329 = arith.constant 0 : i32
    %dma_start3A_330 = arith.constant 0 : i32
    %dma_start3A_331 = tpu.memref_slice %arg8[%dma_start3A_320, %dma_start3A_329, %dma_start3A_330] : memref<4x128x64xf32, #tpu.memory_space<vmem>> -> memref<1x128x64xf32, #tpu.memory_space<vmem>>
    %dma_start3A_332 = tpu.memref_squeeze %dma_start3A_331 : memref<1x128x64xf32, #tpu.memory_space<vmem>> -> memref<128x64xf32, #tpu.memory_space<vmem>>
    tpu.enqueue_dma source(%dma_start3A_332 : memref<128x64xf32, #tpu.memory_space<vmem>>) target(%dma_start3A_328 : memref<128x64xf32, #tpu.memory_space<hbm>>) target_semaphore(%arg12 : memref<!tpu.dma_semaphore, #tpu.memory_space<semaphore_mem>>)
    %scan3A = arith.constant 0 : i32
    %scan3A_333 = arith.constant 0 : i32
    %scan3A_334 = arith.constant 99 : i32
    %scan3A_335 = arith.addi %scan3A_333, %scan3A_334 : i32
    %scan3A_336 = arith.constant 1 : i32
    scf.for %scan3A_478 = %scan3A_333 to %scan3A_335 step %scan3A_336  : i32 {
      %mul3A_479 = arith.constant 2 : i32
      %mul3A_480 = arith.muli %mul3A_479, %scan3A_478 : i32
      %add3A_481 = arith.constant 2 : i32
      %add3A_482 = arith.addi %mul3A_480, %add3A_481 : i32
      %sub3A = arith.constant 2 : i32
      %sub3A_483 = arith.subi %add3A_482, %sub3A : i32
      %mul3A_484 = arith.constant 4 : i32
      %mul3A_485 = arith.muli %sub3A_483, %mul3A_484 : i32
      %add3A_486 = arith.addi %mul3A_2, %mul3A_485 : i32
      %add3A_487 = arith.constant 0 : i32
      %add3A_488 = arith.addi %add3A_486, %add3A_487 : i32
      %mul3A_489 = arith.constant 128 : i32
      %mul3A_490 = arith.muli %add3A_488, %mul3A_489 : i32
      %dma_wait3A_491 = arith.constant 0 : i32
      %dma_wait3A_492 = arith.constant 0 : i32
      %dma_wait3A_493 = arith.constant 0 : i32
      %dma_wait3A_494 = tpu.memref_slice %arg7[%dma_wait3A_491, %dma_wait3A_492, %dma_wait3A_493] : memref<4x128x64xf32, #tpu.memory_space<vmem>> -> memref<1x128x64xf32, #tpu.memory_space<vmem>>
      %dma_wait3A_495 = tpu.memref_squeeze %dma_wait3A_494 : memref<1x128x64xf32, #tpu.memory_space<vmem>> -> memref<128x64xf32, #tpu.memory_space<vmem>>
      %dma_wait3A_496 = arith.constant 0 : i32
      %dma_wait3A_497 = tpu.memref_slice %arg4[%mul3A_490, %dma_wait3A_496] : memref<3276800x64xf32, #tpu.memory_space<hbm>> -> memref<128x64xf32, #tpu.memory_space<hbm>>
      %dma_wait3A_498 = arith.constant 0 : i32
      %dma_wait3A_499 = tpu.memref_slice %arg4[%mul3A_490, %dma_wait3A_498] : memref<3276800x64xf32, #tpu.memory_space<hbm>> -> memref<128x64xf32, #tpu.memory_space<hbm>>
      %dma_wait3A_500 = arith.constant 0 : i32
      %dma_wait3A_501 = arith.constant 0 : i32
      %dma_wait3A_502 = tpu.memref_slice %arg7[%dma_wait3A_491, %dma_wait3A_500, %dma_wait3A_501] : memref<4x128x64xf32, #tpu.memory_space<vmem>> -> memref<1x128x64xf32, #tpu.memory_space<vmem>>
      %dma_wait3A_503 = tpu.memref_squeeze %dma_wait3A_502 : memref<1x128x64xf32, #tpu.memory_space<vmem>> -> memref<128x64xf32, #tpu.memory_space<vmem>>
      tpu.wait_dma2 semaphore(%arg11 : memref<!tpu.dma_semaphore, #tpu.memory_space<semaphore_mem>>) src(%dma_wait3A_503 : memref<128x64xf32, #tpu.memory_space<vmem>>) dst(%dma_wait3A_499 : memref<128x64xf32, #tpu.memory_space<hbm>>)
      %add3A_504 = arith.constant 1 : i32
      %add3A_505 = arith.addi %add3A_486, %add3A_504 : i32
      %mul3A_506 = arith.constant 128 : i32
      %mul3A_507 = arith.muli %add3A_505, %mul3A_506 : i32
      %dma_wait3A_508 = arith.constant 1 : i32
      %dma_wait3A_509 = arith.constant 0 : i32
      %dma_wait3A_510 = arith.constant 0 : i32
      %dma_wait3A_511 = tpu.memref_slice %arg7[%dma_wait3A_508, %dma_wait3A_509, %dma_wait3A_510] : memref<4x128x64xf32, #tpu.memory_space<vmem>> -> memref<1x128x64xf32, #tpu.memory_space<vmem>>
      %dma_wait3A_512 = tpu.memref_squeeze %dma_wait3A_511 : memref<1x128x64xf32, #tpu.memory_space<vmem>> -> memref<128x64xf32, #tpu.memory_space<vmem>>
      %dma_wait3A_513 = arith.constant 0 : i32
      %dma_wait3A_514 = tpu.memref_slice %arg4[%mul3A_507, %dma_wait3A_513] : memref<3276800x64xf32, #tpu.memory_space<hbm>> -> memref<128x64xf32, #tpu.memory_space<hbm>>
      %dma_wait3A_515 = arith.constant 0 : i32
      %dma_wait3A_516 = tpu.memref_slice %arg4[%mul3A_507, %dma_wait3A_515] : memref<3276800x64xf32, #tpu.memory_space<hbm>> -> memref<128x64xf32, #tpu.memory_space<hbm>>
      %dma_wait3A_517 = arith.constant 0 : i32
      %dma_wait3A_518 = arith.constant 0 : i32
      %dma_wait3A_519 = tpu.memref_slice %arg7[%dma_wait3A_508, %dma_wait3A_517, %dma_wait3A_518] : memref<4x128x64xf32, #tpu.memory_space<vmem>> -> memref<1x128x64xf32, #tpu.memory_space<vmem>>
      %dma_wait3A_520 = tpu.memref_squeeze %dma_wait3A_519 : memref<1x128x64xf32, #tpu.memory_space<vmem>> -> memref<128x64xf32, #tpu.memory_space<vmem>>
      tpu.wait_dma2 semaphore(%arg11 : memref<!tpu.dma_semaphore, #tpu.memory_space<semaphore_mem>>) src(%dma_wait3A_520 : memref<128x64xf32, #tpu.memory_space<vmem>>) dst(%dma_wait3A_516 : memref<128x64xf32, #tpu.memory_space<hbm>>)
      %add3A_521 = arith.constant 2 : i32
      %add3A_522 = arith.addi %add3A_486, %add3A_521 : i32
      %mul3A_523 = arith.constant 128 : i32
      %mul3A_524 = arith.muli %add3A_522, %mul3A_523 : i32
      %dma_wait3A_525 = arith.constant 2 : i32
      %dma_wait3A_526 = arith.constant 0 : i32
      %dma_wait3A_527 = arith.constant 0 : i32
      %dma_wait3A_528 = tpu.memref_slice %arg7[%dma_wait3A_525, %dma_wait3A_526, %dma_wait3A_527] : memref<4x128x64xf32, #tpu.memory_space<vmem>> -> memref<1x128x64xf32, #tpu.memory_space<vmem>>
      %dma_wait3A_529 = tpu.memref_squeeze %dma_wait3A_528 : memref<1x128x64xf32, #tpu.memory_space<vmem>> -> memref<128x64xf32, #tpu.memory_space<vmem>>
      %dma_wait3A_530 = arith.constant 0 : i32
      %dma_wait3A_531 = tpu.memref_slice %arg4[%mul3A_524, %dma_wait3A_530] : memref<3276800x64xf32, #tpu.memory_space<hbm>> -> memref<128x64xf32, #tpu.memory_space<hbm>>
      %dma_wait3A_532 = arith.constant 0 : i32
      %dma_wait3A_533 = tpu.memref_slice %arg4[%mul3A_524, %dma_wait3A_532] : memref<3276800x64xf32, #tpu.memory_space<hbm>> -> memref<128x64xf32, #tpu.memory_space<hbm>>
      %dma_wait3A_534 = arith.constant 0 : i32
      %dma_wait3A_535 = arith.constant 0 : i32
      %dma_wait3A_536 = tpu.memref_slice %arg7[%dma_wait3A_525, %dma_wait3A_534, %dma_wait3A_535] : memref<4x128x64xf32, #tpu.memory_space<vmem>> -> memref<1x128x64xf32, #tpu.memory_space<vmem>>
      %dma_wait3A_537 = tpu.memref_squeeze %dma_wait3A_536 : memref<1x128x64xf32, #tpu.memory_space<vmem>> -> memref<128x64xf32, #tpu.memory_space<vmem>>
      tpu.wait_dma2 semaphore(%arg11 : memref<!tpu.dma_semaphore, #tpu.memory_space<semaphore_mem>>) src(%dma_wait3A_537 : memref<128x64xf32, #tpu.memory_space<vmem>>) dst(%dma_wait3A_533 : memref<128x64xf32, #tpu.memory_space<hbm>>)
      %add3A_538 = arith.constant 3 : i32
      %add3A_539 = arith.addi %add3A_486, %add3A_538 : i32
      %mul3A_540 = arith.constant 128 : i32
      %mul3A_541 = arith.muli %add3A_539, %mul3A_540 : i32
      %dma_wait3A_542 = arith.constant 3 : i32
      %dma_wait3A_543 = arith.constant 0 : i32
      %dma_wait3A_544 = arith.constant 0 : i32
      %dma_wait3A_545 = tpu.memref_slice %arg7[%dma_wait3A_542, %dma_wait3A_543, %dma_wait3A_544] : memref<4x128x64xf32, #tpu.memory_space<vmem>> -> memref<1x128x64xf32, #tpu.memory_space<vmem>>
      %dma_wait3A_546 = tpu.memref_squeeze %dma_wait3A_545 : memref<1x128x64xf32, #tpu.memory_space<vmem>> -> memref<128x64xf32, #tpu.memory_space<vmem>>
      %dma_wait3A_547 = arith.constant 0 : i32
      %dma_wait3A_548 = tpu.memref_slice %arg4[%mul3A_541, %dma_wait3A_547] : memref<3276800x64xf32, #tpu.memory_space<hbm>> -> memref<128x64xf32, #tpu.memory_space<hbm>>
      %dma_wait3A_549 = arith.constant 0 : i32
      %dma_wait3A_550 = tpu.memref_slice %arg4[%mul3A_541, %dma_wait3A_549] : memref<3276800x64xf32, #tpu.memory_space<hbm>> -> memref<128x64xf32, #tpu.memory_space<hbm>>
      %dma_wait3A_551 = arith.constant 0 : i32
      %dma_wait3A_552 = arith.constant 0 : i32
      %dma_wait3A_553 = tpu.memref_slice %arg7[%dma_wait3A_542, %dma_wait3A_551, %dma_wait3A_552] : memref<4x128x64xf32, #tpu.memory_space<vmem>> -> memref<1x128x64xf32, #tpu.memory_space<vmem>>
      %dma_wait3A_554 = tpu.memref_squeeze %dma_wait3A_553 : memref<1x128x64xf32, #tpu.memory_space<vmem>> -> memref<128x64xf32, #tpu.memory_space<vmem>>
      tpu.wait_dma2 semaphore(%arg11 : memref<!tpu.dma_semaphore, #tpu.memory_space<semaphore_mem>>) src(%dma_wait3A_554 : memref<128x64xf32, #tpu.memory_space<vmem>>) dst(%dma_wait3A_550 : memref<128x64xf32, #tpu.memory_space<hbm>>)
      %mul3A_555 = arith.constant 4 : i32
      %mul3A_556 = arith.muli %add3A_482, %mul3A_555 : i32
      %add3A_557 = arith.addi %mul3A_2, %mul3A_556 : i32
      "tpu.region"() ({
        %run_scoped3A = tpu.sem_alloc : memref<!tpu.dma_semaphore, #tpu.memory_space<semaphore_mem>>
        %dma_start3A_964 = arith.constant 0 : i32
        %dma_start3A_965 = tpu.memref_slice %arg2[%add3A_557, %dma_start3A_964] : memref<25600x128xi32, #tpu.memory_space<hbm>> -> memref<4x128xi32, #tpu.memory_space<hbm>>
        %dma_start3A_966 = arith.constant 0 : i32
        %dma_start3A_967 = tpu.memref_slice %arg2[%add3A_557, %dma_start3A_966] : memref<25600x128xi32, #tpu.memory_space<hbm>> -> memref<4x128xi32, #tpu.memory_space<hbm>>
        tpu.enqueue_dma source(%dma_start3A_967 : memref<4x128xi32, #tpu.memory_space<hbm>>) target(%arg5 : memref<4x128xi32, #tpu.memory_space<vmem>>) target_semaphore(%run_scoped3A : memref<!tpu.dma_semaphore, #tpu.memory_space<semaphore_mem>>)
        %dma_wait3A_968 = arith.constant 0 : i32
        %dma_wait3A_969 = tpu.memref_slice %arg2[%add3A_557, %dma_wait3A_968] : memref<25600x128xi32, #tpu.memory_space<hbm>> -> memref<4x128xi32, #tpu.memory_space<hbm>>
        %dma_wait3A_970 = arith.constant 0 : i32
        %dma_wait3A_971 = tpu.memref_slice %arg2[%add3A_557, %dma_wait3A_970] : memref<25600x128xi32, #tpu.memory_space<hbm>> -> memref<4x128xi32, #tpu.memory_space<hbm>>
        tpu.wait_dma2 semaphore(%run_scoped3A : memref<!tpu.dma_semaphore, #tpu.memory_space<semaphore_mem>>) src(%dma_wait3A_971 : memref<4x128xi32, #tpu.memory_space<hbm>>) dst(%arg5 : memref<4x128xi32, #tpu.memory_space<vmem>>)
        tpu.yield
      }) : () -> ()
      %dma_start3A_558 = arith.constant 0 : i32
      %dma_start3A_559 = arith.constant 0 : i32
      %dma_start3A_560 = arith.constant 0 : i32
      %dma_start3A_561 = arith.constant 0 : i32
      %dma_start3A_562 = tpu.memref_slice %arg7[%dma_start3A_559, %dma_start3A_560, %dma_start3A_561] : memref<4x128x64xf32, #tpu.memory_space<vmem>> -> memref<1x128x64xf32, #tpu.memory_space<vmem>>
      %dma_start3A_563 = tpu.memref_squeeze %dma_start3A_562 : memref<1x128x64xf32, #tpu.memory_space<vmem>> -> memref<128x64xf32, #tpu.memory_space<vmem>>
      %dma_start3A_564 = arith.constant 0 : i32
      %dma_start3A_565 = tpu.memref_slice %arg5[%dma_start3A_558, %dma_start3A_564] : memref<4x128xi32, #tpu.memory_space<vmem>> -> memref<1x128xi32, #tpu.memory_space<vmem>>
      %dma_start3A_566 = tpu.memref_squeeze %dma_start3A_565 : memref<1x128xi32, #tpu.memory_space<vmem>> -> memref<128xi32, #tpu.memory_space<vmem>>
      %dma_start3A_567 = arith.constant 0 : i32
      %dma_start3A_568 = arith.constant 0 : i32
      %dma_start3A_569 = tpu.memref_slice %arg3[%dma_start3A_567, %dma_start3A_568] : memref<367x64xf32, #tpu.memory_space<hbm>> -> memref<367x64xf32, #tpu.memory_space<hbm>>
      tpu.enqueue_indirect_dma source(%dma_start3A_569 : memref<367x64xf32, #tpu.memory_space<hbm>>) target(%dma_start3A_563 : memref<128x64xf32, #tpu.memory_space<vmem>>) offsets(%dma_start3A_566 : memref<128xi32, #tpu.memory_space<vmem>>) semaphore(%arg9 : memref<!tpu.dma_semaphore, #tpu.memory_space<semaphore_mem>>)
      %dma_start3A_570 = arith.constant 1 : i32
      %dma_start3A_571 = arith.constant 1 : i32
      %dma_start3A_572 = arith.constant 0 : i32
      %dma_start3A_573 = arith.constant 0 : i32
      %dma_start3A_574 = tpu.memref_slice %arg7[%dma_start3A_571, %dma_start3A_572, %dma_start3A_573] : memref<4x128x64xf32, #tpu.memory_space<vmem>> -> memref<1x128x64xf32, #tpu.memory_space<vmem>>
      %dma_start3A_575 = tpu.memref_squeeze %dma_start3A_574 : memref<1x128x64xf32, #tpu.memory_space<vmem>> -> memref<128x64xf32, #tpu.memory_space<vmem>>
      %dma_start3A_576 = arith.constant 0 : i32
      %dma_start3A_577 = tpu.memref_slice %arg5[%dma_start3A_570, %dma_start3A_576] : memref<4x128xi32, #tpu.memory_space<vmem>> -> memref<1x128xi32, #tpu.memory_space<vmem>>
      %dma_start3A_578 = tpu.memref_squeeze %dma_start3A_577 : memref<1x128xi32, #tpu.memory_space<vmem>> -> memref<128xi32, #tpu.memory_space<vmem>>
      %dma_start3A_579 = arith.constant 0 : i32
      %dma_start3A_580 = arith.constant 0 : i32
      %dma_start3A_581 = tpu.memref_slice %arg3[%dma_start3A_579, %dma_start3A_580] : memref<367x64xf32, #tpu.memory_space<hbm>> -> memref<367x64xf32, #tpu.memory_space<hbm>>
      tpu.enqueue_indirect_dma source(%dma_start3A_581 : memref<367x64xf32, #tpu.memory_space<hbm>>) target(%dma_start3A_575 : memref<128x64xf32, #tpu.memory_space<vmem>>) offsets(%dma_start3A_578 : memref<128xi32, #tpu.memory_space<vmem>>) semaphore(%arg9 : memref<!tpu.dma_semaphore, #tpu.memory_space<semaphore_mem>>)
      %dma_start3A_582 = arith.constant 2 : i32
      %dma_start3A_583 = arith.constant 2 : i32
      %dma_start3A_584 = arith.constant 0 : i32
      %dma_start3A_585 = arith.constant 0 : i32
      %dma_start3A_586 = tpu.memref_slice %arg7[%dma_start3A_583, %dma_start3A_584, %dma_start3A_585] : memref<4x128x64xf32, #tpu.memory_space<vmem>> -> memref<1x128x64xf32, #tpu.memory_space<vmem>>
      %dma_start3A_587 = tpu.memref_squeeze %dma_start3A_586 : memref<1x128x64xf32, #tpu.memory_space<vmem>> -> memref<128x64xf32, #tpu.memory_space<vmem>>
      %dma_start3A_588 = arith.constant 0 : i32
      %dma_start3A_589 = tpu.memref_slice %arg5[%dma_start3A_582, %dma_start3A_588] : memref<4x128xi32, #tpu.memory_space<vmem>> -> memref<1x128xi32, #tpu.memory_space<vmem>>
      %dma_start3A_590 = tpu.memref_squeeze %dma_start3A_589 : memref<1x128xi32, #tpu.memory_space<vmem>> -> memref<128xi32, #tpu.memory_space<vmem>>
      %dma_start3A_591 = arith.constant 0 : i32
      %dma_start3A_592 = arith.constant 0 : i32
      %dma_start3A_593 = tpu.memref_slice %arg3[%dma_start3A_591, %dma_start3A_592] : memref<367x64xf32, #tpu.memory_space<hbm>> -> memref<367x64xf32, #tpu.memory_space<hbm>>
      tpu.enqueue_indirect_dma source(%dma_start3A_593 : memref<367x64xf32, #tpu.memory_space<hbm>>) target(%dma_start3A_587 : memref<128x64xf32, #tpu.memory_space<vmem>>) offsets(%dma_start3A_590 : memref<128xi32, #tpu.memory_space<vmem>>) semaphore(%arg9 : memref<!tpu.dma_semaphore, #tpu.memory_space<semaphore_mem>>)
      %dma_start3A_594 = arith.constant 3 : i32
      %dma_start3A_595 = arith.constant 3 : i32
      %dma_start3A_596 = arith.constant 0 : i32
      %dma_start3A_597 = arith.constant 0 : i32
      %dma_start3A_598 = tpu.memref_slice %arg7[%dma_start3A_595, %dma_start3A_596, %dma_start3A_597] : memref<4x128x64xf32, #tpu.memory_space<vmem>> -> memref<1x128x64xf32, #tpu.memory_space<vmem>>
      %dma_start3A_599 = tpu.memref_squeeze %dma_start3A_598 : memref<1x128x64xf32, #tpu.memory_space<vmem>> -> memref<128x64xf32, #tpu.memory_space<vmem>>
      %dma_start3A_600 = arith.constant 0 : i32
      %dma_start3A_601 = tpu.memref_slice %arg5[%dma_start3A_594, %dma_start3A_600] : memref<4x128xi32, #tpu.memory_space<vmem>> -> memref<1x128xi32, #tpu.memory_space<vmem>>
      %dma_start3A_602 = tpu.memref_squeeze %dma_start3A_601 : memref<1x128xi32, #tpu.memory_space<vmem>> -> memref<128xi32, #tpu.memory_space<vmem>>
      %dma_start3A_603 = arith.constant 0 : i32
      %dma_start3A_604 = arith.constant 0 : i32
      %dma_start3A_605 = tpu.memref_slice %arg3[%dma_start3A_603, %dma_start3A_604] : memref<367x64xf32, #tpu.memory_space<hbm>> -> memref<367x64xf32, #tpu.memory_space<hbm>>
      tpu.enqueue_indirect_dma source(%dma_start3A_605 : memref<367x64xf32, #tpu.memory_space<hbm>>) target(%dma_start3A_599 : memref<128x64xf32, #tpu.memory_space<vmem>>) offsets(%dma_start3A_602 : memref<128xi32, #tpu.memory_space<vmem>>) semaphore(%arg9 : memref<!tpu.dma_semaphore, #tpu.memory_space<semaphore_mem>>)
      %dma_wait3A_606 = arith.constant 0 : i32
      %dma_wait3A_607 = arith.constant 0 : i32
      %dma_wait3A_608 = arith.constant 0 : i32
      %dma_wait3A_609 = arith.constant 0 : i32
      %dma_wait3A_610 = tpu.memref_slice %arg7[%dma_wait3A_607, %dma_wait3A_608, %dma_wait3A_609] : memref<4x128x64xf32, #tpu.memory_space<vmem>> -> memref<1x128x64xf32, #tpu.memory_space<vmem>>
      %dma_wait3A_611 = tpu.memref_squeeze %dma_wait3A_610 : memref<1x128x64xf32, #tpu.memory_space<vmem>> -> memref<128x64xf32, #tpu.memory_space<vmem>>
      %dma_wait3A_612 = arith.constant 0 : i32
      %dma_wait3A_613 = tpu.memref_slice %arg5[%dma_wait3A_606, %dma_wait3A_612] : memref<4x128xi32, #tpu.memory_space<vmem>> -> memref<1x128xi32, #tpu.memory_space<vmem>>
      %dma_wait3A_614 = tpu.memref_squeeze %dma_wait3A_613 : memref<1x128xi32, #tpu.memory_space<vmem>> -> memref<128xi32, #tpu.memory_space<vmem>>
      %dma_wait3A_615 = arith.constant 0 : i32
      %dma_wait3A_616 = arith.constant 0 : i32
      %dma_wait3A_617 = tpu.memref_slice %arg3[%dma_wait3A_615, %dma_wait3A_616] : memref<367x64xf32, #tpu.memory_space<hbm>> -> memref<367x64xf32, #tpu.memory_space<hbm>>
      tpu.wait_indirect_dma semaphore(%arg9 : memref<!tpu.dma_semaphore, #tpu.memory_space<semaphore_mem>>) src(%dma_wait3A_617 : memref<367x64xf32, #tpu.memory_space<hbm>>) dst(%dma_wait3A_611 : memref<128x64xf32, #tpu.memory_space<vmem>>)
      %dma_wait3A_618 = arith.constant 1 : i32
      %dma_wait3A_619 = arith.constant 1 : i32
      %dma_wait3A_620 = arith.constant 0 : i32
      %dma_wait3A_621 = arith.constant 0 : i32
      %dma_wait3A_622 = tpu.memref_slice %arg7[%dma_wait3A_619, %dma_wait3A_620, %dma_wait3A_621] : memref<4x128x64xf32, #tpu.memory_space<vmem>> -> memref<1x128x64xf32, #tpu.memory_space<vmem>>
      %dma_wait3A_623 = tpu.memref_squeeze %dma_wait3A_622 : memref<1x128x64xf32, #tpu.memory_space<vmem>> -> memref<128x64xf32, #tpu.memory_space<vmem>>
      %dma_wait3A_624 = arith.constant 0 : i32
      %dma_wait3A_625 = tpu.memref_slice %arg5[%dma_wait3A_618, %dma_wait3A_624] : memref<4x128xi32, #tpu.memory_space<vmem>> -> memref<1x128xi32, #tpu.memory_space<vmem>>
      %dma_wait3A_626 = tpu.memref_squeeze %dma_wait3A_625 : memref<1x128xi32, #tpu.memory_space<vmem>> -> memref<128xi32, #tpu.memory_space<vmem>>
      %dma_wait3A_627 = arith.constant 0 : i32
      %dma_wait3A_628 = arith.constant 0 : i32
      %dma_wait3A_629 = tpu.memref_slice %arg3[%dma_wait3A_627, %dma_wait3A_628] : memref<367x64xf32, #tpu.memory_space<hbm>> -> memref<367x64xf32, #tpu.memory_space<hbm>>
      tpu.wait_indirect_dma semaphore(%arg9 : memref<!tpu.dma_semaphore, #tpu.memory_space<semaphore_mem>>) src(%dma_wait3A_629 : memref<367x64xf32, #tpu.memory_space<hbm>>) dst(%dma_wait3A_623 : memref<128x64xf32, #tpu.memory_space<vmem>>)
      %dma_wait3A_630 = arith.constant 2 : i32
      %dma_wait3A_631 = arith.constant 2 : i32
      %dma_wait3A_632 = arith.constant 0 : i32
      %dma_wait3A_633 = arith.constant 0 : i32
      %dma_wait3A_634 = tpu.memref_slice %arg7[%dma_wait3A_631, %dma_wait3A_632, %dma_wait3A_633] : memref<4x128x64xf32, #tpu.memory_space<vmem>> -> memref<1x128x64xf32, #tpu.memory_space<vmem>>
      %dma_wait3A_635 = tpu.memref_squeeze %dma_wait3A_634 : memref<1x128x64xf32, #tpu.memory_space<vmem>> -> memref<128x64xf32, #tpu.memory_space<vmem>>
      %dma_wait3A_636 = arith.constant 0 : i32
      %dma_wait3A_637 = tpu.memref_slice %arg5[%dma_wait3A_630, %dma_wait3A_636] : memref<4x128xi32, #tpu.memory_space<vmem>> -> memref<1x128xi32, #tpu.memory_space<vmem>>
      %dma_wait3A_638 = tpu.memref_squeeze %dma_wait3A_637 : memref<1x128xi32, #tpu.memory_space<vmem>> -> memref<128xi32, #tpu.memory_space<vmem>>
      %dma_wait3A_639 = arith.constant 0 : i32
      %dma_wait3A_640 = arith.constant 0 : i32
      %dma_wait3A_641 = tpu.memref_slice %arg3[%dma_wait3A_639, %dma_wait3A_640] : memref<367x64xf32, #tpu.memory_space<hbm>> -> memref<367x64xf32, #tpu.memory_space<hbm>>
      tpu.wait_indirect_dma semaphore(%arg9 : memref<!tpu.dma_semaphore, #tpu.memory_space<semaphore_mem>>) src(%dma_wait3A_641 : memref<367x64xf32, #tpu.memory_space<hbm>>) dst(%dma_wait3A_635 : memref<128x64xf32, #tpu.memory_space<vmem>>)
      %dma_wait3A_642 = arith.constant 3 : i32
      %dma_wait3A_643 = arith.constant 3 : i32
      %dma_wait3A_644 = arith.constant 0 : i32
      %dma_wait3A_645 = arith.constant 0 : i32
      %dma_wait3A_646 = tpu.memref_slice %arg7[%dma_wait3A_643, %dma_wait3A_644, %dma_wait3A_645] : memref<4x128x64xf32, #tpu.memory_space<vmem>> -> memref<1x128x64xf32, #tpu.memory_space<vmem>>
      %dma_wait3A_647 = tpu.memref_squeeze %dma_wait3A_646 : memref<1x128x64xf32, #tpu.memory_space<vmem>> -> memref<128x64xf32, #tpu.memory_space<vmem>>
      %dma_wait3A_648 = arith.constant 0 : i32
      %dma_wait3A_649 = tpu.memref_slice %arg5[%dma_wait3A_642, %dma_wait3A_648] : memref<4x128xi32, #tpu.memory_space<vmem>> -> memref<1x128xi32, #tpu.memory_space<vmem>>
      %dma_wait3A_650 = tpu.memref_squeeze %dma_wait3A_649 : memref<1x128xi32, #tpu.memory_space<vmem>> -> memref<128xi32, #tpu.memory_space<vmem>>
      %dma_wait3A_651 = arith.constant 0 : i32
      %dma_wait3A_652 = arith.constant 0 : i32
      %dma_wait3A_653 = tpu.memref_slice %arg3[%dma_wait3A_651, %dma_wait3A_652] : memref<367x64xf32, #tpu.memory_space<hbm>> -> memref<367x64xf32, #tpu.memory_space<hbm>>
      tpu.wait_indirect_dma semaphore(%arg9 : memref<!tpu.dma_semaphore, #tpu.memory_space<semaphore_mem>>) src(%dma_wait3A_653 : memref<367x64xf32, #tpu.memory_space<hbm>>) dst(%dma_wait3A_647 : memref<128x64xf32, #tpu.memory_space<vmem>>)
      %add3A_654 = arith.constant 0 : i32
      %add3A_655 = arith.addi %add3A_557, %add3A_654 : i32
      %mul3A_656 = arith.constant 128 : i32
      %mul3A_657 = arith.muli %add3A_655, %mul3A_656 : i32
      %dma_start3A_658 = arith.constant 0 : i32
      %dma_start3A_659 = arith.constant 0 : i32
      %dma_start3A_660 = arith.constant 0 : i32
      %dma_start3A_661 = tpu.memref_slice %arg7[%dma_start3A_658, %dma_start3A_659, %dma_start3A_660] : memref<4x128x64xf32, #tpu.memory_space<vmem>> -> memref<1x128x64xf32, #tpu.memory_space<vmem>>
      %dma_start3A_662 = tpu.memref_squeeze %dma_start3A_661 : memref<1x128x64xf32, #tpu.memory_space<vmem>> -> memref<128x64xf32, #tpu.memory_space<vmem>>
      %dma_start3A_663 = arith.constant 0 : i32
      %dma_start3A_664 = tpu.memref_slice %arg4[%mul3A_657, %dma_start3A_663] : memref<3276800x64xf32, #tpu.memory_space<hbm>> -> memref<128x64xf32, #tpu.memory_space<hbm>>
      %dma_start3A_665 = arith.constant 0 : i32
      %dma_start3A_666 = tpu.memref_slice %arg4[%mul3A_657, %dma_start3A_665] : memref<3276800x64xf32, #tpu.memory_space<hbm>> -> memref<128x64xf32, #tpu.memory_space<hbm>>
      %dma_start3A_667 = arith.constant 0 : i32
      %dma_start3A_668 = arith.constant 0 : i32
      %dma_start3A_669 = tpu.memref_slice %arg7[%dma_start3A_658, %dma_start3A_667, %dma_start3A_668] : memref<4x128x64xf32, #tpu.memory_space<vmem>> -> memref<1x128x64xf32, #tpu.memory_space<vmem>>
      %dma_start3A_670 = tpu.memref_squeeze %dma_start3A_669 : memref<1x128x64xf32, #tpu.memory_space<vmem>> -> memref<128x64xf32, #tpu.memory_space<vmem>>
      tpu.enqueue_dma source(%dma_start3A_670 : memref<128x64xf32, #tpu.memory_space<vmem>>) target(%dma_start3A_666 : memref<128x64xf32, #tpu.memory_space<hbm>>) target_semaphore(%arg11 : memref<!tpu.dma_semaphore, #tpu.memory_space<semaphore_mem>>)
      %add3A_671 = arith.constant 1 : i32
      %add3A_672 = arith.addi %add3A_557, %add3A_671 : i32
      %mul3A_673 = arith.constant 128 : i32
      %mul3A_674 = arith.muli %add3A_672, %mul3A_673 : i32
      %dma_start3A_675 = arith.constant 1 : i32
      %dma_start3A_676 = arith.constant 0 : i32
      %dma_start3A_677 = arith.constant 0 : i32
      %dma_start3A_678 = tpu.memref_slice %arg7[%dma_start3A_675, %dma_start3A_676, %dma_start3A_677] : memref<4x128x64xf32, #tpu.memory_space<vmem>> -> memref<1x128x64xf32, #tpu.memory_space<vmem>>
      %dma_start3A_679 = tpu.memref_squeeze %dma_start3A_678 : memref<1x128x64xf32, #tpu.memory_space<vmem>> -> memref<128x64xf32, #tpu.memory_space<vmem>>
      %dma_start3A_680 = arith.constant 0 : i32
      %dma_start3A_681 = tpu.memref_slice %arg4[%mul3A_674, %dma_start3A_680] : memref<3276800x64xf32, #tpu.memory_space<hbm>> -> memref<128x64xf32, #tpu.memory_space<hbm>>
      %dma_start3A_682 = arith.constant 0 : i32
      %dma_start3A_683 = tpu.memref_slice %arg4[%mul3A_674, %dma_start3A_682] : memref<3276800x64xf32, #tpu.memory_space<hbm>> -> memref<128x64xf32, #tpu.memory_space<hbm>>
      %dma_start3A_684 = arith.constant 0 : i32
      %dma_start3A_685 = arith.constant 0 : i32
      %dma_start3A_686 = tpu.memref_slice %arg7[%dma_start3A_675, %dma_start3A_684, %dma_start3A_685] : memref<4x128x64xf32, #tpu.memory_space<vmem>> -> memref<1x128x64xf32, #tpu.memory_space<vmem>>
      %dma_start3A_687 = tpu.memref_squeeze %dma_start3A_686 : memref<1x128x64xf32, #tpu.memory_space<vmem>> -> memref<128x64xf32, #tpu.memory_space<vmem>>
      tpu.enqueue_dma source(%dma_start3A_687 : memref<128x64xf32, #tpu.memory_space<vmem>>) target(%dma_start3A_683 : memref<128x64xf32, #tpu.memory_space<hbm>>) target_semaphore(%arg11 : memref<!tpu.dma_semaphore, #tpu.memory_space<semaphore_mem>>)
      %add3A_688 = arith.constant 2 : i32
      %add3A_689 = arith.addi %add3A_557, %add3A_688 : i32
      %mul3A_690 = arith.constant 128 : i32
      %mul3A_691 = arith.muli %add3A_689, %mul3A_690 : i32
      %dma_start3A_692 = arith.constant 2 : i32
      %dma_start3A_693 = arith.constant 0 : i32
      %dma_start3A_694 = arith.constant 0 : i32
      %dma_start3A_695 = tpu.memref_slice %arg7[%dma_start3A_692, %dma_start3A_693, %dma_start3A_694] : memref<4x128x64xf32, #tpu.memory_space<vmem>> -> memref<1x128x64xf32, #tpu.memory_space<vmem>>
      %dma_start3A_696 = tpu.memref_squeeze %dma_start3A_695 : memref<1x128x64xf32, #tpu.memory_space<vmem>> -> memref<128x64xf32, #tpu.memory_space<vmem>>
      %dma_start3A_697 = arith.constant 0 : i32
      %dma_start3A_698 = tpu.memref_slice %arg4[%mul3A_691, %dma_start3A_697] : memref<3276800x64xf32, #tpu.memory_space<hbm>> -> memref<128x64xf32, #tpu.memory_space<hbm>>
      %dma_start3A_699 = arith.constant 0 : i32
      %dma_start3A_700 = tpu.memref_slice %arg4[%mul3A_691, %dma_start3A_699] : memref<3276800x64xf32, #tpu.memory_space<hbm>> -> memref<128x64xf32, #tpu.memory_space<hbm>>
      %dma_start3A_701 = arith.constant 0 : i32
      %dma_start3A_702 = arith.constant 0 : i32
      %dma_start3A_703 = tpu.memref_slice %arg7[%dma_start3A_692, %dma_start3A_701, %dma_start3A_702] : memref<4x128x64xf32, #tpu.memory_space<vmem>> -> memref<1x128x64xf32, #tpu.memory_space<vmem>>
      %dma_start3A_704 = tpu.memref_squeeze %dma_start3A_703 : memref<1x128x64xf32, #tpu.memory_space<vmem>> -> memref<128x64xf32, #tpu.memory_space<vmem>>
      tpu.enqueue_dma source(%dma_start3A_704 : memref<128x64xf32, #tpu.memory_space<vmem>>) target(%dma_start3A_700 : memref<128x64xf32, #tpu.memory_space<hbm>>) target_semaphore(%arg11 : memref<!tpu.dma_semaphore, #tpu.memory_space<semaphore_mem>>)
      %add3A_705 = arith.constant 3 : i32
      %add3A_706 = arith.addi %add3A_557, %add3A_705 : i32
      %mul3A_707 = arith.constant 128 : i32
      %mul3A_708 = arith.muli %add3A_706, %mul3A_707 : i32
      %dma_start3A_709 = arith.constant 3 : i32
      %dma_start3A_710 = arith.constant 0 : i32
      %dma_start3A_711 = arith.constant 0 : i32
      %dma_start3A_712 = tpu.memref_slice %arg7[%dma_start3A_709, %dma_start3A_710, %dma_start3A_711] : memref<4x128x64xf32, #tpu.memory_space<vmem>> -> memref<1x128x64xf32, #tpu.memory_space<vmem>>
      %dma_start3A_713 = tpu.memref_squeeze %dma_start3A_712 : memref<1x128x64xf32, #tpu.memory_space<vmem>> -> memref<128x64xf32, #tpu.memory_space<vmem>>
      %dma_start3A_714 = arith.constant 0 : i32
      %dma_start3A_715 = tpu.memref_slice %arg4[%mul3A_708, %dma_start3A_714] : memref<3276800x64xf32, #tpu.memory_space<hbm>> -> memref<128x64xf32, #tpu.memory_space<hbm>>
      %dma_start3A_716 = arith.constant 0 : i32
      %dma_start3A_717 = tpu.memref_slice %arg4[%mul3A_708, %dma_start3A_716] : memref<3276800x64xf32, #tpu.memory_space<hbm>> -> memref<128x64xf32, #tpu.memory_space<hbm>>
      %dma_start3A_718 = arith.constant 0 : i32
      %dma_start3A_719 = arith.constant 0 : i32
      %dma_start3A_720 = tpu.memref_slice %arg7[%dma_start3A_709, %dma_start3A_718, %dma_start3A_719] : memref<4x128x64xf32, #tpu.memory_space<vmem>> -> memref<1x128x64xf32, #tpu.memory_space<vmem>>
      %dma_start3A_721 = tpu.memref_squeeze %dma_start3A_720 : memref<1x128x64xf32, #tpu.memory_space<vmem>> -> memref<128x64xf32, #tpu.memory_space<vmem>>
      tpu.enqueue_dma source(%dma_start3A_721 : memref<128x64xf32, #tpu.memory_space<vmem>>) target(%dma_start3A_717 : memref<128x64xf32, #tpu.memory_space<hbm>>) target_semaphore(%arg11 : memref<!tpu.dma_semaphore, #tpu.memory_space<semaphore_mem>>)
      %add3A_722 = arith.constant 1 : i32
      %add3A_723 = arith.addi %add3A_482, %add3A_722 : i32
      %sub3A_724 = arith.constant 2 : i32
      %sub3A_725 = arith.subi %add3A_723, %sub3A_724 : i32
      %mul3A_726 = arith.constant 4 : i32
      %mul3A_727 = arith.muli %sub3A_725, %mul3A_726 : i32
      %add3A_728 = arith.addi %mul3A_2, %mul3A_727 : i32
      %add3A_729 = arith.constant 0 : i32
      %add3A_730 = arith.addi %add3A_728, %add3A_729 : i32
      %mul3A_731 = arith.constant 128 : i32
      %mul3A_732 = arith.muli %add3A_730, %mul3A_731 : i32
      %dma_wait3A_733 = arith.constant 0 : i32
      %dma_wait3A_734 = arith.constant 0 : i32
      %dma_wait3A_735 = arith.constant 0 : i32
      %dma_wait3A_736 = tpu.memref_slice %arg8[%dma_wait3A_733, %dma_wait3A_734, %dma_wait3A_735] : memref<4x128x64xf32, #tpu.memory_space<vmem>> -> memref<1x128x64xf32, #tpu.memory_space<vmem>>
      %dma_wait3A_737 = tpu.memref_squeeze %dma_wait3A_736 : memref<1x128x64xf32, #tpu.memory_space<vmem>> -> memref<128x64xf32, #tpu.memory_space<vmem>>
      %dma_wait3A_738 = arith.constant 0 : i32
      %dma_wait3A_739 = tpu.memref_slice %arg4[%mul3A_732, %dma_wait3A_738] : memref<3276800x64xf32, #tpu.memory_space<hbm>> -> memref<128x64xf32, #tpu.memory_space<hbm>>
      %dma_wait3A_740 = arith.constant 0 : i32
      %dma_wait3A_741 = tpu.memref_slice %arg4[%mul3A_732, %dma_wait3A_740] : memref<3276800x64xf32, #tpu.memory_space<hbm>> -> memref<128x64xf32, #tpu.memory_space<hbm>>
      %dma_wait3A_742 = arith.constant 0 : i32
      %dma_wait3A_743 = arith.constant 0 : i32
      %dma_wait3A_744 = tpu.memref_slice %arg8[%dma_wait3A_733, %dma_wait3A_742, %dma_wait3A_743] : memref<4x128x64xf32, #tpu.memory_space<vmem>> -> memref<1x128x64xf32, #tpu.memory_space<vmem>>
      %dma_wait3A_745 = tpu.memref_squeeze %dma_wait3A_744 : memref<1x128x64xf32, #tpu.memory_space<vmem>> -> memref<128x64xf32, #tpu.memory_space<vmem>>
      tpu.wait_dma2 semaphore(%arg12 : memref<!tpu.dma_semaphore, #tpu.memory_space<semaphore_mem>>) src(%dma_wait3A_745 : memref<128x64xf32, #tpu.memory_space<vmem>>) dst(%dma_wait3A_741 : memref<128x64xf32, #tpu.memory_space<hbm>>)
      %add3A_746 = arith.constant 1 : i32
      %add3A_747 = arith.addi %add3A_728, %add3A_746 : i32
      %mul3A_748 = arith.constant 128 : i32
      %mul3A_749 = arith.muli %add3A_747, %mul3A_748 : i32
      %dma_wait3A_750 = arith.constant 1 : i32
      %dma_wait3A_751 = arith.constant 0 : i32
      %dma_wait3A_752 = arith.constant 0 : i32
      %dma_wait3A_753 = tpu.memref_slice %arg8[%dma_wait3A_750, %dma_wait3A_751, %dma_wait3A_752] : memref<4x128x64xf32, #tpu.memory_space<vmem>> -> memref<1x128x64xf32, #tpu.memory_space<vmem>>
      %dma_wait3A_754 = tpu.memref_squeeze %dma_wait3A_753 : memref<1x128x64xf32, #tpu.memory_space<vmem>> -> memref<128x64xf32, #tpu.memory_space<vmem>>
      %dma_wait3A_755 = arith.constant 0 : i32
      %dma_wait3A_756 = tpu.memref_slice %arg4[%mul3A_749, %dma_wait3A_755] : memref<3276800x64xf32, #tpu.memory_space<hbm>> -> memref<128x64xf32, #tpu.memory_space<hbm>>
      %dma_wait3A_757 = arith.constant 0 : i32
      %dma_wait3A_758 = tpu.memref_slice %arg4[%mul3A_749, %dma_wait3A_757] : memref<3276800x64xf32, #tpu.memory_space<hbm>> -> memref<128x64xf32, #tpu.memory_space<hbm>>
      %dma_wait3A_759 = arith.constant 0 : i32
      %dma_wait3A_760 = arith.constant 0 : i32
      %dma_wait3A_761 = tpu.memref_slice %arg8[%dma_wait3A_750, %dma_wait3A_759, %dma_wait3A_760] : memref<4x128x64xf32, #tpu.memory_space<vmem>> -> memref<1x128x64xf32, #tpu.memory_space<vmem>>
      %dma_wait3A_762 = tpu.memref_squeeze %dma_wait3A_761 : memref<1x128x64xf32, #tpu.memory_space<vmem>> -> memref<128x64xf32, #tpu.memory_space<vmem>>
      tpu.wait_dma2 semaphore(%arg12 : memref<!tpu.dma_semaphore, #tpu.memory_space<semaphore_mem>>) src(%dma_wait3A_762 : memref<128x64xf32, #tpu.memory_space<vmem>>) dst(%dma_wait3A_758 : memref<128x64xf32, #tpu.memory_space<hbm>>)
      %add3A_763 = arith.constant 2 : i32
      %add3A_764 = arith.addi %add3A_728, %add3A_763 : i32
      %mul3A_765 = arith.constant 128 : i32
      %mul3A_766 = arith.muli %add3A_764, %mul3A_765 : i32
      %dma_wait3A_767 = arith.constant 2 : i32
      %dma_wait3A_768 = arith.constant 0 : i32
      %dma_wait3A_769 = arith.constant 0 : i32
      %dma_wait3A_770 = tpu.memref_slice %arg8[%dma_wait3A_767, %dma_wait3A_768, %dma_wait3A_769] : memref<4x128x64xf32, #tpu.memory_space<vmem>> -> memref<1x128x64xf32, #tpu.memory_space<vmem>>
      %dma_wait3A_771 = tpu.memref_squeeze %dma_wait3A_770 : memref<1x128x64xf32, #tpu.memory_space<vmem>> -> memref<128x64xf32, #tpu.memory_space<vmem>>
      %dma_wait3A_772 = arith.constant 0 : i32
      %dma_wait3A_773 = tpu.memref_slice %arg4[%mul3A_766, %dma_wait3A_772] : memref<3276800x64xf32, #tpu.memory_space<hbm>> -> memref<128x64xf32, #tpu.memory_space<hbm>>
      %dma_wait3A_774 = arith.constant 0 : i32
      %dma_wait3A_775 = tpu.memref_slice %arg4[%mul3A_766, %dma_wait3A_774] : memref<3276800x64xf32, #tpu.memory_space<hbm>> -> memref<128x64xf32, #tpu.memory_space<hbm>>
      %dma_wait3A_776 = arith.constant 0 : i32
      %dma_wait3A_777 = arith.constant 0 : i32
      %dma_wait3A_778 = tpu.memref_slice %arg8[%dma_wait3A_767, %dma_wait3A_776, %dma_wait3A_777] : memref<4x128x64xf32, #tpu.memory_space<vmem>> -> memref<1x128x64xf32, #tpu.memory_space<vmem>>
      %dma_wait3A_779 = tpu.memref_squeeze %dma_wait3A_778 : memref<1x128x64xf32, #tpu.memory_space<vmem>> -> memref<128x64xf32, #tpu.memory_space<vmem>>
      tpu.wait_dma2 semaphore(%arg12 : memref<!tpu.dma_semaphore, #tpu.memory_space<semaphore_mem>>) src(%dma_wait3A_779 : memref<128x64xf32, #tpu.memory_space<vmem>>) dst(%dma_wait3A_775 : memref<128x64xf32, #tpu.memory_space<hbm>>)
      %add3A_780 = arith.constant 3 : i32
      %add3A_781 = arith.addi %add3A_728, %add3A_780 : i32
      %mul3A_782 = arith.constant 128 : i32
      %mul3A_783 = arith.muli %add3A_781, %mul3A_782 : i32
      %dma_wait3A_784 = arith.constant 3 : i32
      %dma_wait3A_785 = arith.constant 0 : i32
      %dma_wait3A_786 = arith.constant 0 : i32
      %dma_wait3A_787 = tpu.memref_slice %arg8[%dma_wait3A_784, %dma_wait3A_785, %dma_wait3A_786] : memref<4x128x64xf32, #tpu.memory_space<vmem>> -> memref<1x128x64xf32, #tpu.memory_space<vmem>>
      %dma_wait3A_788 = tpu.memref_squeeze %dma_wait3A_787 : memref<1x128x64xf32, #tpu.memory_space<vmem>> -> memref<128x64xf32, #tpu.memory_space<vmem>>
      %dma_wait3A_789 = arith.constant 0 : i32
      %dma_wait3A_790 = tpu.memref_slice %arg4[%mul3A_783, %dma_wait3A_789] : memref<3276800x64xf32, #tpu.memory_space<hbm>> -> memref<128x64xf32, #tpu.memory_space<hbm>>
      %dma_wait3A_791 = arith.constant 0 : i32
      %dma_wait3A_792 = tpu.memref_slice %arg4[%mul3A_783, %dma_wait3A_791] : memref<3276800x64xf32, #tpu.memory_space<hbm>> -> memref<128x64xf32, #tpu.memory_space<hbm>>
      %dma_wait3A_793 = arith.constant 0 : i32
      %dma_wait3A_794 = arith.constant 0 : i32
      %dma_wait3A_795 = tpu.memref_slice %arg8[%dma_wait3A_784, %dma_wait3A_793, %dma_wait3A_794] : memref<4x128x64xf32, #tpu.memory_space<vmem>> -> memref<1x128x64xf32, #tpu.memory_space<vmem>>
      %dma_wait3A_796 = tpu.memref_squeeze %dma_wait3A_795 : memref<1x128x64xf32, #tpu.memory_space<vmem>> -> memref<128x64xf32, #tpu.memory_space<vmem>>
      tpu.wait_dma2 semaphore(%arg12 : memref<!tpu.dma_semaphore, #tpu.memory_space<semaphore_mem>>) src(%dma_wait3A_796 : memref<128x64xf32, #tpu.memory_space<vmem>>) dst(%dma_wait3A_792 : memref<128x64xf32, #tpu.memory_space<hbm>>)
      %mul3A_797 = arith.constant 4 : i32
      %mul3A_798 = arith.muli %add3A_723, %mul3A_797 : i32
      %add3A_799 = arith.addi %mul3A_2, %mul3A_798 : i32
      "tpu.region"() ({
        %run_scoped3A = tpu.sem_alloc : memref<!tpu.dma_semaphore, #tpu.memory_space<semaphore_mem>>
        %dma_start3A_964 = arith.constant 0 : i32
        %dma_start3A_965 = tpu.memref_slice %arg2[%add3A_799, %dma_start3A_964] : memref<25600x128xi32, #tpu.memory_space<hbm>> -> memref<4x128xi32, #tpu.memory_space<hbm>>
        %dma_start3A_966 = arith.constant 0 : i32
        %dma_start3A_967 = tpu.memref_slice %arg2[%add3A_799, %dma_start3A_966] : memref<25600x128xi32, #tpu.memory_space<hbm>> -> memref<4x128xi32, #tpu.memory_space<hbm>>
        tpu.enqueue_dma source(%dma_start3A_967 : memref<4x128xi32, #tpu.memory_space<hbm>>) target(%arg6 : memref<4x128xi32, #tpu.memory_space<vmem>>) target_semaphore(%run_scoped3A : memref<!tpu.dma_semaphore, #tpu.memory_space<semaphore_mem>>)
        %dma_wait3A_968 = arith.constant 0 : i32
        %dma_wait3A_969 = tpu.memref_slice %arg2[%add3A_799, %dma_wait3A_968] : memref<25600x128xi32, #tpu.memory_space<hbm>> -> memref<4x128xi32, #tpu.memory_space<hbm>>
        %dma_wait3A_970 = arith.constant 0 : i32
        %dma_wait3A_971 = tpu.memref_slice %arg2[%add3A_799, %dma_wait3A_970] : memref<25600x128xi32, #tpu.memory_space<hbm>> -> memref<4x128xi32, #tpu.memory_space<hbm>>
        tpu.wait_dma2 semaphore(%run_scoped3A : memref<!tpu.dma_semaphore, #tpu.memory_space<semaphore_mem>>) src(%dma_wait3A_971 : memref<4x128xi32, #tpu.memory_space<hbm>>) dst(%arg6 : memref<4x128xi32, #tpu.memory_space<vmem>>)
        tpu.yield
      }) : () -> ()
      %dma_start3A_800 = arith.constant 0 : i32
      %dma_start3A_801 = arith.constant 0 : i32
      %dma_start3A_802 = arith.constant 0 : i32
      %dma_start3A_803 = arith.constant 0 : i32
      %dma_start3A_804 = tpu.memref_slice %arg8[%dma_start3A_801, %dma_start3A_802, %dma_start3A_803] : memref<4x128x64xf32, #tpu.memory_space<vmem>> -> memref<1x128x64xf32, #tpu.memory_space<vmem>>
      %dma_start3A_805 = tpu.memref_squeeze %dma_start3A_804 : memref<1x128x64xf32, #tpu.memory_space<vmem>> -> memref<128x64xf32, #tpu.memory_space<vmem>>
      %dma_start3A_806 = arith.constant 0 : i32
      %dma_start3A_807 = tpu.memref_slice %arg6[%dma_start3A_800, %dma_start3A_806] : memref<4x128xi32, #tpu.memory_space<vmem>> -> memref<1x128xi32, #tpu.memory_space<vmem>>
      %dma_start3A_808 = tpu.memref_squeeze %dma_start3A_807 : memref<1x128xi32, #tpu.memory_space<vmem>> -> memref<128xi32, #tpu.memory_space<vmem>>
      %dma_start3A_809 = arith.constant 0 : i32
      %dma_start3A_810 = arith.constant 0 : i32
      %dma_start3A_811 = tpu.memref_slice %arg3[%dma_start3A_809, %dma_start3A_810] : memref<367x64xf32, #tpu.memory_space<hbm>> -> memref<367x64xf32, #tpu.memory_space<hbm>>
      tpu.enqueue_indirect_dma source(%dma_start3A_811 : memref<367x64xf32, #tpu.memory_space<hbm>>) target(%dma_start3A_805 : memref<128x64xf32, #tpu.memory_space<vmem>>) offsets(%dma_start3A_808 : memref<128xi32, #tpu.memory_space<vmem>>) semaphore(%arg10 : memref<!tpu.dma_semaphore, #tpu.memory_space<semaphore_mem>>)
      %dma_start3A_812 = arith.constant 1 : i32
      %dma_start3A_813 = arith.constant 1 : i32
      %dma_start3A_814 = arith.constant 0 : i32
      %dma_start3A_815 = arith.constant 0 : i32
      %dma_start3A_816 = tpu.memref_slice %arg8[%dma_start3A_813, %dma_start3A_814, %dma_start3A_815] : memref<4x128x64xf32, #tpu.memory_space<vmem>> -> memref<1x128x64xf32, #tpu.memory_space<vmem>>
      %dma_start3A_817 = tpu.memref_squeeze %dma_start3A_816 : memref<1x128x64xf32, #tpu.memory_space<vmem>> -> memref<128x64xf32, #tpu.memory_space<vmem>>
      %dma_start3A_818 = arith.constant 0 : i32
      %dma_start3A_819 = tpu.memref_slice %arg6[%dma_start3A_812, %dma_start3A_818] : memref<4x128xi32, #tpu.memory_space<vmem>> -> memref<1x128xi32, #tpu.memory_space<vmem>>
      %dma_start3A_820 = tpu.memref_squeeze %dma_start3A_819 : memref<1x128xi32, #tpu.memory_space<vmem>> -> memref<128xi32, #tpu.memory_space<vmem>>
      %dma_start3A_821 = arith.constant 0 : i32
      %dma_start3A_822 = arith.constant 0 : i32
      %dma_start3A_823 = tpu.memref_slice %arg3[%dma_start3A_821, %dma_start3A_822] : memref<367x64xf32, #tpu.memory_space<hbm>> -> memref<367x64xf32, #tpu.memory_space<hbm>>
      tpu.enqueue_indirect_dma source(%dma_start3A_823 : memref<367x64xf32, #tpu.memory_space<hbm>>) target(%dma_start3A_817 : memref<128x64xf32, #tpu.memory_space<vmem>>) offsets(%dma_start3A_820 : memref<128xi32, #tpu.memory_space<vmem>>) semaphore(%arg10 : memref<!tpu.dma_semaphore, #tpu.memory_space<semaphore_mem>>)
      %dma_start3A_824 = arith.constant 2 : i32
      %dma_start3A_825 = arith.constant 2 : i32
      %dma_start3A_826 = arith.constant 0 : i32
      %dma_start3A_827 = arith.constant 0 : i32
      %dma_start3A_828 = tpu.memref_slice %arg8[%dma_start3A_825, %dma_start3A_826, %dma_start3A_827] : memref<4x128x64xf32, #tpu.memory_space<vmem>> -> memref<1x128x64xf32, #tpu.memory_space<vmem>>
      %dma_start3A_829 = tpu.memref_squeeze %dma_start3A_828 : memref<1x128x64xf32, #tpu.memory_space<vmem>> -> memref<128x64xf32, #tpu.memory_space<vmem>>
      %dma_start3A_830 = arith.constant 0 : i32
      %dma_start3A_831 = tpu.memref_slice %arg6[%dma_start3A_824, %dma_start3A_830] : memref<4x128xi32, #tpu.memory_space<vmem>> -> memref<1x128xi32, #tpu.memory_space<vmem>>
      %dma_start3A_832 = tpu.memref_squeeze %dma_start3A_831 : memref<1x128xi32, #tpu.memory_space<vmem>> -> memref<128xi32, #tpu.memory_space<vmem>>
      %dma_start3A_833 = arith.constant 0 : i32
      %dma_start3A_834 = arith.constant 0 : i32
      %dma_start3A_835 = tpu.memref_slice %arg3[%dma_start3A_833, %dma_start3A_834] : memref<367x64xf32, #tpu.memory_space<hbm>> -> memref<367x64xf32, #tpu.memory_space<hbm>>
      tpu.enqueue_indirect_dma source(%dma_start3A_835 : memref<367x64xf32, #tpu.memory_space<hbm>>) target(%dma_start3A_829 : memref<128x64xf32, #tpu.memory_space<vmem>>) offsets(%dma_start3A_832 : memref<128xi32, #tpu.memory_space<vmem>>) semaphore(%arg10 : memref<!tpu.dma_semaphore, #tpu.memory_space<semaphore_mem>>)
      %dma_start3A_836 = arith.constant 3 : i32
      %dma_start3A_837 = arith.constant 3 : i32
      %dma_start3A_838 = arith.constant 0 : i32
      %dma_start3A_839 = arith.constant 0 : i32
      %dma_start3A_840 = tpu.memref_slice %arg8[%dma_start3A_837, %dma_start3A_838, %dma_start3A_839] : memref<4x128x64xf32, #tpu.memory_space<vmem>> -> memref<1x128x64xf32, #tpu.memory_space<vmem>>
      %dma_start3A_841 = tpu.memref_squeeze %dma_start3A_840 : memref<1x128x64xf32, #tpu.memory_space<vmem>> -> memref<128x64xf32, #tpu.memory_space<vmem>>
      %dma_start3A_842 = arith.constant 0 : i32
      %dma_start3A_843 = tpu.memref_slice %arg6[%dma_start3A_836, %dma_start3A_842] : memref<4x128xi32, #tpu.memory_space<vmem>> -> memref<1x128xi32, #tpu.memory_space<vmem>>
      %dma_start3A_844 = tpu.memref_squeeze %dma_start3A_843 : memref<1x128xi32, #tpu.memory_space<vmem>> -> memref<128xi32, #tpu.memory_space<vmem>>
      %dma_start3A_845 = arith.constant 0 : i32
      %dma_start3A_846 = arith.constant 0 : i32
      %dma_start3A_847 = tpu.memref_slice %arg3[%dma_start3A_845, %dma_start3A_846] : memref<367x64xf32, #tpu.memory_space<hbm>> -> memref<367x64xf32, #tpu.memory_space<hbm>>
      tpu.enqueue_indirect_dma source(%dma_start3A_847 : memref<367x64xf32, #tpu.memory_space<hbm>>) target(%dma_start3A_841 : memref<128x64xf32, #tpu.memory_space<vmem>>) offsets(%dma_start3A_844 : memref<128xi32, #tpu.memory_space<vmem>>) semaphore(%arg10 : memref<!tpu.dma_semaphore, #tpu.memory_space<semaphore_mem>>)
      %dma_wait3A_848 = arith.constant 0 : i32
      %dma_wait3A_849 = arith.constant 0 : i32
      %dma_wait3A_850 = arith.constant 0 : i32
      %dma_wait3A_851 = arith.constant 0 : i32
      %dma_wait3A_852 = tpu.memref_slice %arg8[%dma_wait3A_849, %dma_wait3A_850, %dma_wait3A_851] : memref<4x128x64xf32, #tpu.memory_space<vmem>> -> memref<1x128x64xf32, #tpu.memory_space<vmem>>
      %dma_wait3A_853 = tpu.memref_squeeze %dma_wait3A_852 : memref<1x128x64xf32, #tpu.memory_space<vmem>> -> memref<128x64xf32, #tpu.memory_space<vmem>>
      %dma_wait3A_854 = arith.constant 0 : i32
      %dma_wait3A_855 = tpu.memref_slice %arg6[%dma_wait3A_848, %dma_wait3A_854] : memref<4x128xi32, #tpu.memory_space<vmem>> -> memref<1x128xi32, #tpu.memory_space<vmem>>
      %dma_wait3A_856 = tpu.memref_squeeze %dma_wait3A_855 : memref<1x128xi32, #tpu.memory_space<vmem>> -> memref<128xi32, #tpu.memory_space<vmem>>
      %dma_wait3A_857 = arith.constant 0 : i32
      %dma_wait3A_858 = arith.constant 0 : i32
      %dma_wait3A_859 = tpu.memref_slice %arg3[%dma_wait3A_857, %dma_wait3A_858] : memref<367x64xf32, #tpu.memory_space<hbm>> -> memref<367x64xf32, #tpu.memory_space<hbm>>
      tpu.wait_indirect_dma semaphore(%arg10 : memref<!tpu.dma_semaphore, #tpu.memory_space<semaphore_mem>>) src(%dma_wait3A_859 : memref<367x64xf32, #tpu.memory_space<hbm>>) dst(%dma_wait3A_853 : memref<128x64xf32, #tpu.memory_space<vmem>>)
      %dma_wait3A_860 = arith.constant 1 : i32
      %dma_wait3A_861 = arith.constant 1 : i32
      %dma_wait3A_862 = arith.constant 0 : i32
      %dma_wait3A_863 = arith.constant 0 : i32
      %dma_wait3A_864 = tpu.memref_slice %arg8[%dma_wait3A_861, %dma_wait3A_862, %dma_wait3A_863] : memref<4x128x64xf32, #tpu.memory_space<vmem>> -> memref<1x128x64xf32, #tpu.memory_space<vmem>>
      %dma_wait3A_865 = tpu.memref_squeeze %dma_wait3A_864 : memref<1x128x64xf32, #tpu.memory_space<vmem>> -> memref<128x64xf32, #tpu.memory_space<vmem>>
      %dma_wait3A_866 = arith.constant 0 : i32
      %dma_wait3A_867 = tpu.memref_slice %arg6[%dma_wait3A_860, %dma_wait3A_866] : memref<4x128xi32, #tpu.memory_space<vmem>> -> memref<1x128xi32, #tpu.memory_space<vmem>>
      %dma_wait3A_868 = tpu.memref_squeeze %dma_wait3A_867 : memref<1x128xi32, #tpu.memory_space<vmem>> -> memref<128xi32, #tpu.memory_space<vmem>>
      %dma_wait3A_869 = arith.constant 0 : i32
      %dma_wait3A_870 = arith.constant 0 : i32
      %dma_wait3A_871 = tpu.memref_slice %arg3[%dma_wait3A_869, %dma_wait3A_870] : memref<367x64xf32, #tpu.memory_space<hbm>> -> memref<367x64xf32, #tpu.memory_space<hbm>>
      tpu.wait_indirect_dma semaphore(%arg10 : memref<!tpu.dma_semaphore, #tpu.memory_space<semaphore_mem>>) src(%dma_wait3A_871 : memref<367x64xf32, #tpu.memory_space<hbm>>) dst(%dma_wait3A_865 : memref<128x64xf32, #tpu.memory_space<vmem>>)
      %dma_wait3A_872 = arith.constant 2 : i32
      %dma_wait3A_873 = arith.constant 2 : i32
      %dma_wait3A_874 = arith.constant 0 : i32
      %dma_wait3A_875 = arith.constant 0 : i32
      %dma_wait3A_876 = tpu.memref_slice %arg8[%dma_wait3A_873, %dma_wait3A_874, %dma_wait3A_875] : memref<4x128x64xf32, #tpu.memory_space<vmem>> -> memref<1x128x64xf32, #tpu.memory_space<vmem>>
      %dma_wait3A_877 = tpu.memref_squeeze %dma_wait3A_876 : memref<1x128x64xf32, #tpu.memory_space<vmem>> -> memref<128x64xf32, #tpu.memory_space<vmem>>
      %dma_wait3A_878 = arith.constant 0 : i32
      %dma_wait3A_879 = tpu.memref_slice %arg6[%dma_wait3A_872, %dma_wait3A_878] : memref<4x128xi32, #tpu.memory_space<vmem>> -> memref<1x128xi32, #tpu.memory_space<vmem>>
      %dma_wait3A_880 = tpu.memref_squeeze %dma_wait3A_879 : memref<1x128xi32, #tpu.memory_space<vmem>> -> memref<128xi32, #tpu.memory_space<vmem>>
      %dma_wait3A_881 = arith.constant 0 : i32
      %dma_wait3A_882 = arith.constant 0 : i32
      %dma_wait3A_883 = tpu.memref_slice %arg3[%dma_wait3A_881, %dma_wait3A_882] : memref<367x64xf32, #tpu.memory_space<hbm>> -> memref<367x64xf32, #tpu.memory_space<hbm>>
      tpu.wait_indirect_dma semaphore(%arg10 : memref<!tpu.dma_semaphore, #tpu.memory_space<semaphore_mem>>) src(%dma_wait3A_883 : memref<367x64xf32, #tpu.memory_space<hbm>>) dst(%dma_wait3A_877 : memref<128x64xf32, #tpu.memory_space<vmem>>)
      %dma_wait3A_884 = arith.constant 3 : i32
      %dma_wait3A_885 = arith.constant 3 : i32
      %dma_wait3A_886 = arith.constant 0 : i32
      %dma_wait3A_887 = arith.constant 0 : i32
      %dma_wait3A_888 = tpu.memref_slice %arg8[%dma_wait3A_885, %dma_wait3A_886, %dma_wait3A_887] : memref<4x128x64xf32, #tpu.memory_space<vmem>> -> memref<1x128x64xf32, #tpu.memory_space<vmem>>
      %dma_wait3A_889 = tpu.memref_squeeze %dma_wait3A_888 : memref<1x128x64xf32, #tpu.memory_space<vmem>> -> memref<128x64xf32, #tpu.memory_space<vmem>>
      %dma_wait3A_890 = arith.constant 0 : i32
      %dma_wait3A_891 = tpu.memref_slice %arg6[%dma_wait3A_884, %dma_wait3A_890] : memref<4x128xi32, #tpu.memory_space<vmem>> -> memref<1x128xi32, #tpu.memory_space<vmem>>
      %dma_wait3A_892 = tpu.memref_squeeze %dma_wait3A_891 : memref<1x128xi32, #tpu.memory_space<vmem>> -> memref<128xi32, #tpu.memory_space<vmem>>
      %dma_wait3A_893 = arith.constant 0 : i32
      %dma_wait3A_894 = arith.constant 0 : i32
      %dma_wait3A_895 = tpu.memref_slice %arg3[%dma_wait3A_893, %dma_wait3A_894] : memref<367x64xf32, #tpu.memory_space<hbm>> -> memref<367x64xf32, #tpu.memory_space<hbm>>
      tpu.wait_indirect_dma semaphore(%arg10 : memref<!tpu.dma_semaphore, #tpu.memory_space<semaphore_mem>>) src(%dma_wait3A_895 : memref<367x64xf32, #tpu.memory_space<hbm>>) dst(%dma_wait3A_889 : memref<128x64xf32, #tpu.memory_space<vmem>>)
      %add3A_896 = arith.constant 0 : i32
      %add3A_897 = arith.addi %add3A_799, %add3A_896 : i32
      %mul3A_898 = arith.constant 128 : i32
      %mul3A_899 = arith.muli %add3A_897, %mul3A_898 : i32
      %dma_start3A_900 = arith.constant 0 : i32
      %dma_start3A_901 = arith.constant 0 : i32
      %dma_start3A_902 = arith.constant 0 : i32
      %dma_start3A_903 = tpu.memref_slice %arg8[%dma_start3A_900, %dma_start3A_901, %dma_start3A_902] : memref<4x128x64xf32, #tpu.memory_space<vmem>> -> memref<1x128x64xf32, #tpu.memory_space<vmem>>
      %dma_start3A_904 = tpu.memref_squeeze %dma_start3A_903 : memref<1x128x64xf32, #tpu.memory_space<vmem>> -> memref<128x64xf32, #tpu.memory_space<vmem>>
      %dma_start3A_905 = arith.constant 0 : i32
      %dma_start3A_906 = tpu.memref_slice %arg4[%mul3A_899, %dma_start3A_905] : memref<3276800x64xf32, #tpu.memory_space<hbm>> -> memref<128x64xf32, #tpu.memory_space<hbm>>
      %dma_start3A_907 = arith.constant 0 : i32
      %dma_start3A_908 = tpu.memref_slice %arg4[%mul3A_899, %dma_start3A_907] : memref<3276800x64xf32, #tpu.memory_space<hbm>> -> memref<128x64xf32, #tpu.memory_space<hbm>>
      %dma_start3A_909 = arith.constant 0 : i32
      %dma_start3A_910 = arith.constant 0 : i32
      %dma_start3A_911 = tpu.memref_slice %arg8[%dma_start3A_900, %dma_start3A_909, %dma_start3A_910] : memref<4x128x64xf32, #tpu.memory_space<vmem>> -> memref<1x128x64xf32, #tpu.memory_space<vmem>>
      %dma_start3A_912 = tpu.memref_squeeze %dma_start3A_911 : memref<1x128x64xf32, #tpu.memory_space<vmem>> -> memref<128x64xf32, #tpu.memory_space<vmem>>
      tpu.enqueue_dma source(%dma_start3A_912 : memref<128x64xf32, #tpu.memory_space<vmem>>) target(%dma_start3A_908 : memref<128x64xf32, #tpu.memory_space<hbm>>) target_semaphore(%arg12 : memref<!tpu.dma_semaphore, #tpu.memory_space<semaphore_mem>>)
      %add3A_913 = arith.constant 1 : i32
      %add3A_914 = arith.addi %add3A_799, %add3A_913 : i32
      %mul3A_915 = arith.constant 128 : i32
      %mul3A_916 = arith.muli %add3A_914, %mul3A_915 : i32
      %dma_start3A_917 = arith.constant 1 : i32
      %dma_start3A_918 = arith.constant 0 : i32
      %dma_start3A_919 = arith.constant 0 : i32
      %dma_start3A_920 = tpu.memref_slice %arg8[%dma_start3A_917, %dma_start3A_918, %dma_start3A_919] : memref<4x128x64xf32, #tpu.memory_space<vmem>> -> memref<1x128x64xf32, #tpu.memory_space<vmem>>
      %dma_start3A_921 = tpu.memref_squeeze %dma_start3A_920 : memref<1x128x64xf32, #tpu.memory_space<vmem>> -> memref<128x64xf32, #tpu.memory_space<vmem>>
      %dma_start3A_922 = arith.constant 0 : i32
      %dma_start3A_923 = tpu.memref_slice %arg4[%mul3A_916, %dma_start3A_922] : memref<3276800x64xf32, #tpu.memory_space<hbm>> -> memref<128x64xf32, #tpu.memory_space<hbm>>
      %dma_start3A_924 = arith.constant 0 : i32
      %dma_start3A_925 = tpu.memref_slice %arg4[%mul3A_916, %dma_start3A_924] : memref<3276800x64xf32, #tpu.memory_space<hbm>> -> memref<128x64xf32, #tpu.memory_space<hbm>>
      %dma_start3A_926 = arith.constant 0 : i32
      %dma_start3A_927 = arith.constant 0 : i32
      %dma_start3A_928 = tpu.memref_slice %arg8[%dma_start3A_917, %dma_start3A_926, %dma_start3A_927] : memref<4x128x64xf32, #tpu.memory_space<vmem>> -> memref<1x128x64xf32, #tpu.memory_space<vmem>>
      %dma_start3A_929 = tpu.memref_squeeze %dma_start3A_928 : memref<1x128x64xf32, #tpu.memory_space<vmem>> -> memref<128x64xf32, #tpu.memory_space<vmem>>
      tpu.enqueue_dma source(%dma_start3A_929 : memref<128x64xf32, #tpu.memory_space<vmem>>) target(%dma_start3A_925 : memref<128x64xf32, #tpu.memory_space<hbm>>) target_semaphore(%arg12 : memref<!tpu.dma_semaphore, #tpu.memory_space<semaphore_mem>>)
      %add3A_930 = arith.constant 2 : i32
      %add3A_931 = arith.addi %add3A_799, %add3A_930 : i32
      %mul3A_932 = arith.constant 128 : i32
      %mul3A_933 = arith.muli %add3A_931, %mul3A_932 : i32
      %dma_start3A_934 = arith.constant 2 : i32
      %dma_start3A_935 = arith.constant 0 : i32
      %dma_start3A_936 = arith.constant 0 : i32
      %dma_start3A_937 = tpu.memref_slice %arg8[%dma_start3A_934, %dma_start3A_935, %dma_start3A_936] : memref<4x128x64xf32, #tpu.memory_space<vmem>> -> memref<1x128x64xf32, #tpu.memory_space<vmem>>
      %dma_start3A_938 = tpu.memref_squeeze %dma_start3A_937 : memref<1x128x64xf32, #tpu.memory_space<vmem>> -> memref<128x64xf32, #tpu.memory_space<vmem>>
      %dma_start3A_939 = arith.constant 0 : i32
      %dma_start3A_940 = tpu.memref_slice %arg4[%mul3A_933, %dma_start3A_939] : memref<3276800x64xf32, #tpu.memory_space<hbm>> -> memref<128x64xf32, #tpu.memory_space<hbm>>
      %dma_start3A_941 = arith.constant 0 : i32
      %dma_start3A_942 = tpu.memref_slice %arg4[%mul3A_933, %dma_start3A_941] : memref<3276800x64xf32, #tpu.memory_space<hbm>> -> memref<128x64xf32, #tpu.memory_space<hbm>>
      %dma_start3A_943 = arith.constant 0 : i32
      %dma_start3A_944 = arith.constant 0 : i32
      %dma_start3A_945 = tpu.memref_slice %arg8[%dma_start3A_934, %dma_start3A_943, %dma_start3A_944] : memref<4x128x64xf32, #tpu.memory_space<vmem>> -> memref<1x128x64xf32, #tpu.memory_space<vmem>>
      %dma_start3A_946 = tpu.memref_squeeze %dma_start3A_945 : memref<1x128x64xf32, #tpu.memory_space<vmem>> -> memref<128x64xf32, #tpu.memory_space<vmem>>
      tpu.enqueue_dma source(%dma_start3A_946 : memref<128x64xf32, #tpu.memory_space<vmem>>) target(%dma_start3A_942 : memref<128x64xf32, #tpu.memory_space<hbm>>) target_semaphore(%arg12 : memref<!tpu.dma_semaphore, #tpu.memory_space<semaphore_mem>>)
      %add3A_947 = arith.constant 3 : i32
      %add3A_948 = arith.addi %add3A_799, %add3A_947 : i32
      %mul3A_949 = arith.constant 128 : i32
      %mul3A_950 = arith.muli %add3A_948, %mul3A_949 : i32
      %dma_start3A_951 = arith.constant 3 : i32
      %dma_start3A_952 = arith.constant 0 : i32
      %dma_start3A_953 = arith.constant 0 : i32
      %dma_start3A_954 = tpu.memref_slice %arg8[%dma_start3A_951, %dma_start3A_952, %dma_start3A_953] : memref<4x128x64xf32, #tpu.memory_space<vmem>> -> memref<1x128x64xf32, #tpu.memory_space<vmem>>
      %dma_start3A_955 = tpu.memref_squeeze %dma_start3A_954 : memref<1x128x64xf32, #tpu.memory_space<vmem>> -> memref<128x64xf32, #tpu.memory_space<vmem>>
      %dma_start3A_956 = arith.constant 0 : i32
      %dma_start3A_957 = tpu.memref_slice %arg4[%mul3A_950, %dma_start3A_956] : memref<3276800x64xf32, #tpu.memory_space<hbm>> -> memref<128x64xf32, #tpu.memory_space<hbm>>
      %dma_start3A_958 = arith.constant 0 : i32
      %dma_start3A_959 = tpu.memref_slice %arg4[%mul3A_950, %dma_start3A_958] : memref<3276800x64xf32, #tpu.memory_space<hbm>> -> memref<128x64xf32, #tpu.memory_space<hbm>>
      %dma_start3A_960 = arith.constant 0 : i32
      %dma_start3A_961 = arith.constant 0 : i32
      %dma_start3A_962 = tpu.memref_slice %arg8[%dma_start3A_951, %dma_start3A_960, %dma_start3A_961] : memref<4x128x64xf32, #tpu.memory_space<vmem>> -> memref<1x128x64xf32, #tpu.memory_space<vmem>>
      %dma_start3A_963 = tpu.memref_squeeze %dma_start3A_962 : memref<1x128x64xf32, #tpu.memory_space<vmem>> -> memref<128x64xf32, #tpu.memory_space<vmem>>
      tpu.enqueue_dma source(%dma_start3A_963 : memref<128x64xf32, #tpu.memory_space<vmem>>) target(%dma_start3A_959 : memref<128x64xf32, #tpu.memory_space<hbm>>) target_semaphore(%arg12 : memref<!tpu.dma_semaphore, #tpu.memory_space<semaphore_mem>>)
    }
    %scan3A_337 = arith.constant 99 : i32
    %add3A_338 = arith.constant 792 : i32
    %add3A_339 = arith.addi %mul3A_2, %add3A_338 : i32
    %add3A_340 = arith.constant 0 : i32
    %add3A_341 = arith.addi %add3A_339, %add3A_340 : i32
    %mul3A_342 = arith.constant 128 : i32
    %mul3A_343 = arith.muli %add3A_341, %mul3A_342 : i32
    %dma_wait3A_344 = arith.constant 0 : i32
    %dma_wait3A_345 = arith.constant 0 : i32
    %dma_wait3A_346 = arith.constant 0 : i32
    %dma_wait3A_347 = tpu.memref_slice %arg7[%dma_wait3A_344, %dma_wait3A_345, %dma_wait3A_346] : memref<4x128x64xf32, #tpu.memory_space<vmem>> -> memref<1x128x64xf32, #tpu.memory_space<vmem>>
    %dma_wait3A_348 = tpu.memref_squeeze %dma_wait3A_347 : memref<1x128x64xf32, #tpu.memory_space<vmem>> -> memref<128x64xf32, #tpu.memory_space<vmem>>
    %dma_wait3A_349 = arith.constant 0 : i32
    %dma_wait3A_350 = tpu.memref_slice %arg4[%mul3A_343, %dma_wait3A_349] : memref<3276800x64xf32, #tpu.memory_space<hbm>> -> memref<128x64xf32, #tpu.memory_space<hbm>>
    %dma_wait3A_351 = arith.constant 0 : i32
    %dma_wait3A_352 = tpu.memref_slice %arg4[%mul3A_343, %dma_wait3A_351] : memref<3276800x64xf32, #tpu.memory_space<hbm>> -> memref<128x64xf32, #tpu.memory_space<hbm>>
    %dma_wait3A_353 = arith.constant 0 : i32
    %dma_wait3A_354 = arith.constant 0 : i32
    %dma_wait3A_355 = tpu.memref_slice %arg7[%dma_wait3A_344, %dma_wait3A_353, %dma_wait3A_354] : memref<4x128x64xf32, #tpu.memory_space<vmem>> -> memref<1x128x64xf32, #tpu.memory_space<vmem>>
    %dma_wait3A_356 = tpu.memref_squeeze %dma_wait3A_355 : memref<1x128x64xf32, #tpu.memory_space<vmem>> -> memref<128x64xf32, #tpu.memory_space<vmem>>
    tpu.wait_dma2 semaphore(%arg11 : memref<!tpu.dma_semaphore, #tpu.memory_space<semaphore_mem>>) src(%dma_wait3A_356 : memref<128x64xf32, #tpu.memory_space<vmem>>) dst(%dma_wait3A_352 : memref<128x64xf32, #tpu.memory_space<hbm>>)
    %add3A_357 = arith.constant 1 : i32
    %add3A_358 = arith.addi %add3A_339, %add3A_357 : i32
    %mul3A_359 = arith.constant 128 : i32
    %mul3A_360 = arith.muli %add3A_358, %mul3A_359 : i32
    %dma_wait3A_361 = arith.constant 1 : i32
    %dma_wait3A_362 = arith.constant 0 : i32
    %dma_wait3A_363 = arith.constant 0 : i32
    %dma_wait3A_364 = tpu.memref_slice %arg7[%dma_wait3A_361, %dma_wait3A_362, %dma_wait3A_363] : memref<4x128x64xf32, #tpu.memory_space<vmem>> -> memref<1x128x64xf32, #tpu.memory_space<vmem>>
    %dma_wait3A_365 = tpu.memref_squeeze %dma_wait3A_364 : memref<1x128x64xf32, #tpu.memory_space<vmem>> -> memref<128x64xf32, #tpu.memory_space<vmem>>
    %dma_wait3A_366 = arith.constant 0 : i32
    %dma_wait3A_367 = tpu.memref_slice %arg4[%mul3A_360, %dma_wait3A_366] : memref<3276800x64xf32, #tpu.memory_space<hbm>> -> memref<128x64xf32, #tpu.memory_space<hbm>>
    %dma_wait3A_368 = arith.constant 0 : i32
    %dma_wait3A_369 = tpu.memref_slice %arg4[%mul3A_360, %dma_wait3A_368] : memref<3276800x64xf32, #tpu.memory_space<hbm>> -> memref<128x64xf32, #tpu.memory_space<hbm>>
    %dma_wait3A_370 = arith.constant 0 : i32
    %dma_wait3A_371 = arith.constant 0 : i32
    %dma_wait3A_372 = tpu.memref_slice %arg7[%dma_wait3A_361, %dma_wait3A_370, %dma_wait3A_371] : memref<4x128x64xf32, #tpu.memory_space<vmem>> -> memref<1x128x64xf32, #tpu.memory_space<vmem>>
    %dma_wait3A_373 = tpu.memref_squeeze %dma_wait3A_372 : memref<1x128x64xf32, #tpu.memory_space<vmem>> -> memref<128x64xf32, #tpu.memory_space<vmem>>
    tpu.wait_dma2 semaphore(%arg11 : memref<!tpu.dma_semaphore, #tpu.memory_space<semaphore_mem>>) src(%dma_wait3A_373 : memref<128x64xf32, #tpu.memory_space<vmem>>) dst(%dma_wait3A_369 : memref<128x64xf32, #tpu.memory_space<hbm>>)
    %add3A_374 = arith.constant 2 : i32
    %add3A_375 = arith.addi %add3A_339, %add3A_374 : i32
    %mul3A_376 = arith.constant 128 : i32
    %mul3A_377 = arith.muli %add3A_375, %mul3A_376 : i32
    %dma_wait3A_378 = arith.constant 2 : i32
    %dma_wait3A_379 = arith.constant 0 : i32
    %dma_wait3A_380 = arith.constant 0 : i32
    %dma_wait3A_381 = tpu.memref_slice %arg7[%dma_wait3A_378, %dma_wait3A_379, %dma_wait3A_380] : memref<4x128x64xf32, #tpu.memory_space<vmem>> -> memref<1x128x64xf32, #tpu.memory_space<vmem>>
    %dma_wait3A_382 = tpu.memref_squeeze %dma_wait3A_381 : memref<1x128x64xf32, #tpu.memory_space<vmem>> -> memref<128x64xf32, #tpu.memory_space<vmem>>
    %dma_wait3A_383 = arith.constant 0 : i32
    %dma_wait3A_384 = tpu.memref_slice %arg4[%mul3A_377, %dma_wait3A_383] : memref<3276800x64xf32, #tpu.memory_space<hbm>> -> memref<128x64xf32, #tpu.memory_space<hbm>>
    %dma_wait3A_385 = arith.constant 0 : i32
    %dma_wait3A_386 = tpu.memref_slice %arg4[%mul3A_377, %dma_wait3A_385] : memref<3276800x64xf32, #tpu.memory_space<hbm>> -> memref<128x64xf32, #tpu.memory_space<hbm>>
    %dma_wait3A_387 = arith.constant 0 : i32
    %dma_wait3A_388 = arith.constant 0 : i32
    %dma_wait3A_389 = tpu.memref_slice %arg7[%dma_wait3A_378, %dma_wait3A_387, %dma_wait3A_388] : memref<4x128x64xf32, #tpu.memory_space<vmem>> -> memref<1x128x64xf32, #tpu.memory_space<vmem>>
    %dma_wait3A_390 = tpu.memref_squeeze %dma_wait3A_389 : memref<1x128x64xf32, #tpu.memory_space<vmem>> -> memref<128x64xf32, #tpu.memory_space<vmem>>
    tpu.wait_dma2 semaphore(%arg11 : memref<!tpu.dma_semaphore, #tpu.memory_space<semaphore_mem>>) src(%dma_wait3A_390 : memref<128x64xf32, #tpu.memory_space<vmem>>) dst(%dma_wait3A_386 : memref<128x64xf32, #tpu.memory_space<hbm>>)
    %add3A_391 = arith.constant 3 : i32
    %add3A_392 = arith.addi %add3A_339, %add3A_391 : i32
    %mul3A_393 = arith.constant 128 : i32
    %mul3A_394 = arith.muli %add3A_392, %mul3A_393 : i32
    %dma_wait3A_395 = arith.constant 3 : i32
    %dma_wait3A_396 = arith.constant 0 : i32
    %dma_wait3A_397 = arith.constant 0 : i32
    %dma_wait3A_398 = tpu.memref_slice %arg7[%dma_wait3A_395, %dma_wait3A_396, %dma_wait3A_397] : memref<4x128x64xf32, #tpu.memory_space<vmem>> -> memref<1x128x64xf32, #tpu.memory_space<vmem>>
    %dma_wait3A_399 = tpu.memref_squeeze %dma_wait3A_398 : memref<1x128x64xf32, #tpu.memory_space<vmem>> -> memref<128x64xf32, #tpu.memory_space<vmem>>
    %dma_wait3A_400 = arith.constant 0 : i32
    %dma_wait3A_401 = tpu.memref_slice %arg4[%mul3A_394, %dma_wait3A_400] : memref<3276800x64xf32, #tpu.memory_space<hbm>> -> memref<128x64xf32, #tpu.memory_space<hbm>>
    %dma_wait3A_402 = arith.constant 0 : i32
    %dma_wait3A_403 = tpu.memref_slice %arg4[%mul3A_394, %dma_wait3A_402] : memref<3276800x64xf32, #tpu.memory_space<hbm>> -> memref<128x64xf32, #tpu.memory_space<hbm>>
    %dma_wait3A_404 = arith.constant 0 : i32
    %dma_wait3A_405 = arith.constant 0 : i32
    %dma_wait3A_406 = tpu.memref_slice %arg7[%dma_wait3A_395, %dma_wait3A_404, %dma_wait3A_405] : memref<4x128x64xf32, #tpu.memory_space<vmem>> -> memref<1x128x64xf32, #tpu.memory_space<vmem>>
    %dma_wait3A_407 = tpu.memref_squeeze %dma_wait3A_406 : memref<1x128x64xf32, #tpu.memory_space<vmem>> -> memref<128x64xf32, #tpu.memory_space<vmem>>
    tpu.wait_dma2 semaphore(%arg11 : memref<!tpu.dma_semaphore, #tpu.memory_space<semaphore_mem>>) src(%dma_wait3A_407 : memref<128x64xf32, #tpu.memory_space<vmem>>) dst(%dma_wait3A_403 : memref<128x64xf32, #tpu.memory_space<hbm>>)
    %add3A_408 = arith.constant 796 : i32
    %add3A_409 = arith.addi %mul3A_2, %add3A_408 : i32
    %add3A_410 = arith.constant 0 : i32
    %add3A_411 = arith.addi %add3A_409, %add3A_410 : i32
    %mul3A_412 = arith.constant 128 : i32
    %mul3A_413 = arith.muli %add3A_411, %mul3A_412 : i32
    %dma_wait3A_414 = arith.constant 0 : i32
    %dma_wait3A_415 = arith.constant 0 : i32
    %dma_wait3A_416 = arith.constant 0 : i32
    %dma_wait3A_417 = tpu.memref_slice %arg8[%dma_wait3A_414, %dma_wait3A_415, %dma_wait3A_416] : memref<4x128x64xf32, #tpu.memory_space<vmem>> -> memref<1x128x64xf32, #tpu.memory_space<vmem>>
    %dma_wait3A_418 = tpu.memref_squeeze %dma_wait3A_417 : memref<1x128x64xf32, #tpu.memory_space<vmem>> -> memref<128x64xf32, #tpu.memory_space<vmem>>
    %dma_wait3A_419 = arith.constant 0 : i32
    %dma_wait3A_420 = tpu.memref_slice %arg4[%mul3A_413, %dma_wait3A_419] : memref<3276800x64xf32, #tpu.memory_space<hbm>> -> memref<128x64xf32, #tpu.memory_space<hbm>>
    %dma_wait3A_421 = arith.constant 0 : i32
    %dma_wait3A_422 = tpu.memref_slice %arg4[%mul3A_413, %dma_wait3A_421] : memref<3276800x64xf32, #tpu.memory_space<hbm>> -> memref<128x64xf32, #tpu.memory_space<hbm>>
    %dma_wait3A_423 = arith.constant 0 : i32
    %dma_wait3A_424 = arith.constant 0 : i32
    %dma_wait3A_425 = tpu.memref_slice %arg8[%dma_wait3A_414, %dma_wait3A_423, %dma_wait3A_424] : memref<4x128x64xf32, #tpu.memory_space<vmem>> -> memref<1x128x64xf32, #tpu.memory_space<vmem>>
    %dma_wait3A_426 = tpu.memref_squeeze %dma_wait3A_425 : memref<1x128x64xf32, #tpu.memory_space<vmem>> -> memref<128x64xf32, #tpu.memory_space<vmem>>
    tpu.wait_dma2 semaphore(%arg12 : memref<!tpu.dma_semaphore, #tpu.memory_space<semaphore_mem>>) src(%dma_wait3A_426 : memref<128x64xf32, #tpu.memory_space<vmem>>) dst(%dma_wait3A_422 : memref<128x64xf32, #tpu.memory_space<hbm>>)
    %add3A_427 = arith.constant 1 : i32
    %add3A_428 = arith.addi %add3A_409, %add3A_427 : i32
    %mul3A_429 = arith.constant 128 : i32
    %mul3A_430 = arith.muli %add3A_428, %mul3A_429 : i32
    %dma_wait3A_431 = arith.constant 1 : i32
    %dma_wait3A_432 = arith.constant 0 : i32
    %dma_wait3A_433 = arith.constant 0 : i32
    %dma_wait3A_434 = tpu.memref_slice %arg8[%dma_wait3A_431, %dma_wait3A_432, %dma_wait3A_433] : memref<4x128x64xf32, #tpu.memory_space<vmem>> -> memref<1x128x64xf32, #tpu.memory_space<vmem>>
    %dma_wait3A_435 = tpu.memref_squeeze %dma_wait3A_434 : memref<1x128x64xf32, #tpu.memory_space<vmem>> -> memref<128x64xf32, #tpu.memory_space<vmem>>
    %dma_wait3A_436 = arith.constant 0 : i32
    %dma_wait3A_437 = tpu.memref_slice %arg4[%mul3A_430, %dma_wait3A_436] : memref<3276800x64xf32, #tpu.memory_space<hbm>> -> memref<128x64xf32, #tpu.memory_space<hbm>>
    %dma_wait3A_438 = arith.constant 0 : i32
    %dma_wait3A_439 = tpu.memref_slice %arg4[%mul3A_430, %dma_wait3A_438] : memref<3276800x64xf32, #tpu.memory_space<hbm>> -> memref<128x64xf32, #tpu.memory_space<hbm>>
    %dma_wait3A_440 = arith.constant 0 : i32
    %dma_wait3A_441 = arith.constant 0 : i32
    %dma_wait3A_442 = tpu.memref_slice %arg8[%dma_wait3A_431, %dma_wait3A_440, %dma_wait3A_441] : memref<4x128x64xf32, #tpu.memory_space<vmem>> -> memref<1x128x64xf32, #tpu.memory_space<vmem>>
    %dma_wait3A_443 = tpu.memref_squeeze %dma_wait3A_442 : memref<1x128x64xf32, #tpu.memory_space<vmem>> -> memref<128x64xf32, #tpu.memory_space<vmem>>
    tpu.wait_dma2 semaphore(%arg12 : memref<!tpu.dma_semaphore, #tpu.memory_space<semaphore_mem>>) src(%dma_wait3A_443 : memref<128x64xf32, #tpu.memory_space<vmem>>) dst(%dma_wait3A_439 : memref<128x64xf32, #tpu.memory_space<hbm>>)
    %add3A_444 = arith.constant 2 : i32
    %add3A_445 = arith.addi %add3A_409, %add3A_444 : i32
    %mul3A_446 = arith.constant 128 : i32
    %mul3A_447 = arith.muli %add3A_445, %mul3A_446 : i32
    %dma_wait3A_448 = arith.constant 2 : i32
    %dma_wait3A_449 = arith.constant 0 : i32
    %dma_wait3A_450 = arith.constant 0 : i32
    %dma_wait3A_451 = tpu.memref_slice %arg8[%dma_wait3A_448, %dma_wait3A_449, %dma_wait3A_450] : memref<4x128x64xf32, #tpu.memory_space<vmem>> -> memref<1x128x64xf32, #tpu.memory_space<vmem>>
    %dma_wait3A_452 = tpu.memref_squeeze %dma_wait3A_451 : memref<1x128x64xf32, #tpu.memory_space<vmem>> -> memref<128x64xf32, #tpu.memory_space<vmem>>
    %dma_wait3A_453 = arith.constant 0 : i32
    %dma_wait3A_454 = tpu.memref_slice %arg4[%mul3A_447, %dma_wait3A_453] : memref<3276800x64xf32, #tpu.memory_space<hbm>> -> memref<128x64xf32, #tpu.memory_space<hbm>>
    %dma_wait3A_455 = arith.constant 0 : i32
    %dma_wait3A_456 = tpu.memref_slice %arg4[%mul3A_447, %dma_wait3A_455] : memref<3276800x64xf32, #tpu.memory_space<hbm>> -> memref<128x64xf32, #tpu.memory_space<hbm>>
    %dma_wait3A_457 = arith.constant 0 : i32
    %dma_wait3A_458 = arith.constant 0 : i32
    %dma_wait3A_459 = tpu.memref_slice %arg8[%dma_wait3A_448, %dma_wait3A_457, %dma_wait3A_458] : memref<4x128x64xf32, #tpu.memory_space<vmem>> -> memref<1x128x64xf32, #tpu.memory_space<vmem>>
    %dma_wait3A_460 = tpu.memref_squeeze %dma_wait3A_459 : memref<1x128x64xf32, #tpu.memory_space<vmem>> -> memref<128x64xf32, #tpu.memory_space<vmem>>
    tpu.wait_dma2 semaphore(%arg12 : memref<!tpu.dma_semaphore, #tpu.memory_space<semaphore_mem>>) src(%dma_wait3A_460 : memref<128x64xf32, #tpu.memory_space<vmem>>) dst(%dma_wait3A_456 : memref<128x64xf32, #tpu.memory_space<hbm>>)
    %add3A_461 = arith.constant 3 : i32
    %add3A_462 = arith.addi %add3A_409, %add3A_461 : i32
    %mul3A_463 = arith.constant 128 : i32
    %mul3A_464 = arith.muli %add3A_462, %mul3A_463 : i32
    %dma_wait3A_465 = arith.constant 3 : i32
    %dma_wait3A_466 = arith.constant 0 : i32
    %dma_wait3A_467 = arith.constant 0 : i32
    %dma_wait3A_468 = tpu.memref_slice %arg8[%dma_wait3A_465, %dma_wait3A_466, %dma_wait3A_467] : memref<4x128x64xf32, #tpu.memory_space<vmem>> -> memref<1x128x64xf32, #tpu.memory_space<vmem>>
    %dma_wait3A_469 = tpu.memref_squeeze %dma_wait3A_468 : memref<1x128x64xf32, #tpu.memory_space<vmem>> -> memref<128x64xf32, #tpu.memory_space<vmem>>
    %dma_wait3A_470 = arith.constant 0 : i32
    %dma_wait3A_471 = tpu.memref_slice %arg4[%mul3A_464, %dma_wait3A_470] : memref<3276800x64xf32, #tpu.memory_space<hbm>> -> memref<128x64xf32, #tpu.memory_space<hbm>>
    %dma_wait3A_472 = arith.constant 0 : i32
    %dma_wait3A_473 = tpu.memref_slice %arg4[%mul3A_464, %dma_wait3A_472] : memref<3276800x64xf32, #tpu.memory_space<hbm>> -> memref<128x64xf32, #tpu.memory_space<hbm>>
    %dma_wait3A_474 = arith.constant 0 : i32
    %dma_wait3A_475 = arith.constant 0 : i32
    %dma_wait3A_476 = tpu.memref_slice %arg8[%dma_wait3A_465, %dma_wait3A_474, %dma_wait3A_475] : memref<4x128x64xf32, #tpu.memory_space<vmem>> -> memref<1x128x64xf32, #tpu.memory_space<vmem>>
    %dma_wait3A_477 = tpu.memref_squeeze %dma_wait3A_476 : memref<1x128x64xf32, #tpu.memory_space<vmem>> -> memref<128x64xf32, #tpu.memory_space<vmem>>
    tpu.wait_dma2 semaphore(%arg12 : memref<!tpu.dma_semaphore, #tpu.memory_space<semaphore_mem>>) src(%dma_wait3A_477 : memref<128x64xf32, #tpu.memory_space<vmem>>) dst(%dma_wait3A_473 : memref<128x64xf32, #tpu.memory_space<hbm>>)
    return
  }
}

</mosaic_0001>

<sc_bundles>
// kernel: kernel.3.cloned.1.call-start
scs
__scs_entry_jumppad:
0x0: {  	(pc) =	sbr.rel $0x88, $3  }
0x1: {  	(tag) =	ssettag $0x0;
	lr =	simm.s32 $0x1  }
0x2: {  	[smem:$0x3F9F] =	sst lr;
	_ =	strace $0xD0000000  }
0x3: {  	_ = 	snop  }
0x4: {  	_ = 	snop  }
0x5: {  	_ = 	snop  }
0x6: {  	_ = 	snop  }
0x7: {  	_ = 	snop  }
__scs_overlays_trampoline_lowered:
0x8: {  	[smem:$0x3FAE] =	sst s0  }
0x9: {  	[smem:$0x3FAF] =	sst s1  }
0xa: {  	[smem:$0x3FB0] =	sst s2  }
0xb: {  	[smem:$0x3FB1] =	sst s3  }
0xc: {  	[smem:$0x3FB2] =	sst s4  }
0xd: {  	[smem:$0x3FB3] =	sst s5  }
0xe: {  	[smem:$0x3FB4] =	sst s6  }
0xf: {  	[smem:$0x3FB5] =	sst s7  }
0x10: {  	[smem:$0x3FB6] =	sst s8  }
0x11: {  	[smem:$0x3FB7] =	sst s9;
	s0 =	simm.s32 @!p0 $0x0  }
0x12: {  	s1 =	sld [smem:$0x3F9D];
	s0 =	simm.s32 @p0 $0x1  }
0x13: {  	[smem:$0x3FB8] =	sst s0;
	s0 =	simm.s32 @!p1 $0x0  }
0x14: {  	s2 =	sld [smem:$0x3F9C];
	s0 =	simm.s32 @p1 $0x1  }
0x15: {  	[smem:$0x3FB9] =	sst s0;
	s0 =	simm.s32 @!p2 $0x0  }
0x16: {  	s3 =	sld [smem:$0x3FDB];
	s0 =	simm.s32 @p2 $0x1  }
0x17: {  	s4 =	simm.s32 $0x1BF5;
	[smem:$0x3FBB] =	sst s0  }
0x18: {  	s0 =	sld [smem:$0x3F9E];
	_ =	swait.ge [sflag:s4], $0x0  }
0x19: {  	s7 =	sld [smem:$0x3F9F]  }
0x1a: {  	s8 =	sadd.s32 $0xFFFFE003, lr  }
0x1b: {  	s9 =	sadd.s32 $0xFFFFFEF7, lr;
	s5 =	simm.s32 $0xFFFFFFFF;
	p2 =	slt.u32 s8, $0xFFFFF086  }
0x1c: {  	p1 =	slt.u32 s9, $0xF7A;
	s5 =	simm.s32 @!p2 $0x0  }
0x1d: {  	s5 =	simm.s32 @p1 $0x1;
	p0 =	seq.s32 s7, s2  }
0x1e: {  	s7 =	smul.u32 @!p0 $0xF7A, s2;
	p2 =	seq.s32 @!p0 s5, $0x0  }
0x1f: {  	s9 =	smul.u32 $0xF7A, s1;
	s8 =	simm.s32 @!p0 $0x1BF5;
	p2 =	por !p2, p0  }
0x20: {  	[sflag:s8] =	ssyncset.s32 @!p0 $0xFFFFF086;
	s6 =	sadd.s32 @!p0 s3, s7;
	s7 =	simm.s32 @!p0 $0x108  }
0x21: {  	s3 =	sadd.s32 s3, s9;
	s6 =	sadd.s32 @!p0 $0x88, s6;
	s7 =	simm.s32 @p2 $0x1082  }
0x22: {  	[simem:s7], [sflag:s8] =	dma.local @!p0 [hbm:s6], $0xF7A  }
0x23: {  	s9 =	sor.u32 $0xD0000000, s2;
	s6 =	simm.s32 $0x108;
	_ =	swait.ge @!p0 [sflag:s8], $0x0  }
0x24: {  	s3 =	sadd.s32 $0x88, s3;
	s6 =	simm.s32 @!p1 $0x1082;
	[sflag:s4] =	ssyncset.s32 $0xFFFFF086  }
0x25: {  	[simem:s6], [sflag:s4] =	dma.local [hbm:s3], $0xF7A  }
0x26: {  	[smem:$0x3F9F] =	sst s1;
	(tag) =	ssettag s2;
	_ =	strace s9  }
0x27: {  	s1 =	sld [smem:$0x3FAF]  }
0x28: {  	s2 =	sld [smem:$0x3FB0]  }
0x29: {  	s4 =	sld [smem:$0x3FB2]  }
0x2a: {  	p0 =	seq.s32 s5, $0x0;
	s5 =	sld [smem:$0x3FB3]  }
0x2b: {  	s6 =	sld [smem:$0x3FB4]  }
0x2c: {  	s7 =	sld [smem:$0x3FB5]  }
0x2d: {  	s3 =	simm.s32 $0x108;
	s8 =	sld [smem:$0x3FB6]  }
0x2e: {  	s3 =	simm.s32 @!p0 $0x1082;
	s9 =	sld [smem:$0x3FB7]  }
0x2f: {  	lr =	sadd.s32 s0, s3;
	s0 =	sld [smem:$0x3FAE]  }
0x30: {  	s3 =	sld [smem:$0x3FB1]  }
0x31: {  	[smem:$0x3FBA] =	sst s10  }
0x32: {  	s10 =	sld [smem:$0x3FB8];
	_ =	sdelay $0x3  }
0x33: {  	p0 =	seq.s32 s10, $0x1;
	s10 =	sld [smem:$0x3FBA];
	_ =	sdelay $0x3  }
0x34: {  	[smem:$0x3FBA] =	sst s10  }
0x35: {  	s10 =	sld [smem:$0x3FB9];
	_ =	sdelay $0x3  }
0x36: {  	p1 =	seq.s32 s10, $0x1;
	s10 =	sld [smem:$0x3FBA];
	_ =	sdelay $0x3  }
0x37: {  	[smem:$0x3FBA] =	sst s10  }
0x38: {  	s10 =	sld [smem:$0x3FBB]  }
0x39: {  	_ = 	snop;
	(pc) =	sbr.ind lr, $3  }
0x3a: {  	_ = 	snop  }
0x3b: {  	_ = 	snop  }
0x3c: {  	p2 =	seq.s32 s10, $0x1;
	s10 =	sld [smem:$0x3FBA]  }
0x3d: {  	_ =	shalt  }
0x3e: {  	_ =	shalt  }
0x3f: {  	_ =	shalt  }
0x40: {  	_ =	shalt  }
0x41: {  	_ =	shalt  }
0x42: {  	_ =	shalt  }
0x43: {  	_ =	shalt  }
0x44: {  	_ =	shalt  }
0x45: {  	_ =	shalt  }
0x46: {  	_ =	shalt  }
0x47: {  	_ =	shalt  }
0x48: {  	_ =	shalt  }
0x49: {  	_ =	shalt  }
0x4a: {  	_ =	shalt  }
0x4b: {  	_ =	shalt  }
0x4c: {  	_ =	shalt  }
0x4d: {  	_ =	shalt  }
0x4e: {  	_ =	shalt  }
0x4f: {  	_ =	shalt  }
0x50: {  	_ =	shalt  }
0x51: {  	_ =	shalt  }
0x52: {  	_ =	shalt  }
0x53: {  	_ =	shalt  }
0x54: {  	_ =	shalt  }
0x55: {  	_ =	shalt  }
0x56: {  	_ =	shalt  }
0x57: {  	_ =	shalt  }
0x58: {  	_ =	shalt  }
0x59: {  	_ =	shalt  }
0x5a: {  	_ =	shalt  }
0x5b: {  	_ =	shalt  }
0x5c: {  	_ =	shalt  }
0x5d: {  	_ =	shalt  }
0x5e: {  	_ =	shalt  }
0x5f: {  	_ =	shalt  }
0x60: {  	_ =	shalt  }
0x61: {  	_ =	shalt  }
0x62: {  	_ =	shalt  }
0x63: {  	_ =	shalt  }
0x64: {  	_ =	shalt  }
0x65: {  	_ =	shalt  }
0x66: {  	_ =	shalt  }
0x67: {  	_ =	shalt  }
0x68: {  	_ =	shalt  }
0x69: {  	_ =	shalt  }
0x6a: {  	_ =	shalt  }
0x6b: {  	_ =	shalt  }
0x6c: {  	_ =	shalt  }
0x6d: {  	_ =	shalt  }
0x6e: {  	_ =	shalt  }
0x6f: {  	_ =	shalt  }
0x70: {  	_ =	shalt  }
0x71: {  	_ =	shalt  }
0x72: {  	_ =	shalt  }
0x73: {  	_ =	shalt  }
0x74: {  	_ =	shalt  }
0x75: {  	_ =	shalt  }
0x76: {  	_ =	shalt  }
0x77: {  	_ =	shalt  }
0x78: {  	_ =	shalt  }
0x79: {  	_ =	shalt  }
0x7a: {  	_ =	shalt  }
0x7b: {  	_ =	shalt  }
0x7c: {  	_ =	shalt  }
0x7d: {  	_ =	shalt  }
0x7e: {  	_ =	shalt  }
0x7f: {  	_ =	shalt  }
0x80: {  	_ =	shalt  }
0x81: {  	_ =	shalt  }
0x82: {  	_ =	shalt  }
0x83: {  	_ =	shalt  }
0x84: {  	_ =	shalt  }
0x85: {  	_ =	shalt  }
0x86: {  	_ =	shalt  }
0x87: {  	_ =	shalt  }
.Lfunc_end0:
.L_simem_size_0:
called_computation.1_lowered:
.L_overlay_start_0:
0x88: {  	s2 =	sld [smem:$0x3FD9]  }
0x89: {  	s3 =	sld [smem:$0x3FFE];
	_ =	sdelay $0x1  }
0x8a: {  	s1 =	srdreg.scid  }
0x8b: {  	s0 =	sand.u32 $0x1, s1  }
0x8c: {  	s17 =	sshll.u32 s0, $0xA;
	s2 =	sadd.s32 s3, s2  }
0x8d: {  	s2 =	sadd.s32 s2, s17  }
0x8e: {  	[smem:$0x3FC6] =	sst s2  }
0x8f: {  	_ = 	snop  }
0x90: {  	s2 =	sld [smem:$0x3FD0];
	(tm) =	ssettm $0x1  }
0x91: {  	s18 =	sld [smem:$0x3FFB];
	_ =	sdelay $0x3  }
0x92: {  	_ =	strace s18  }
0x93: {  	s3 =	sld [smem:$0x3FFC];
	_ =	sdelay $0x3  }
0x94: {  	_ =	strace s3  }
0x95: {  	s3 =	sld [smem:$0x3FFD];
	_ =	sdelay $0x3  }
0x96: {  	_ =	strace s3  }
0x97: {  	_ =	strace $0x8FFFFFFF  }
0x98: {  	s19 =	sld [smem:$0x3FDB];
	_ =	sdelay $0x1  }
0x99: {  	s4 =	simm.s32 $_scs_section_size  }
0x9a: {  	s5 =	simm.s32 $_size__tile_overlayer_lowered;
	s6 =	simm.s32 $_tile_overlayer_lowered  }
0x9b: {  	s22 =	simm.s32 $0x1BFF;
	s21 =	sshll.u32 s6, $0x1;
	s3 =	sadd.s32 s4, s19  }
0x9c: {  	s7 =	simm.s32 $0x0;
	s20 =	sshll.u32 s5, $0x1;
	s5 =	sadd.s32 s21, s3  }
0x9d: {  	[timem:s7], [sflag:s22] =	dma.local [hbm:s5], s20  }
0x9e: {  	_ =	swait.ge [sflag:s22], s20  }
0x9f: {  	s4 =	ssub.s32 $0x0, s20;
	[sflag:s22] =	ssyncset.done $0x0  }
0xa0: {  	[sflag:s22] =	ssyncadd.s32 s4;
	_ =	sdelay $0x1  }
0xa1: {  	s23 =	simm.s32 $0x1B8B  }
0xa2: {  	_ =	swait.ge [sflag:s23], $0x1  }
0xa3: {  	[sflag:s23] =	ssyncset.done $0x0  }
0xa4: {  	s25 =	simm.s32 $0x1B8E;
	s24 =	sld [smem:$0x3FFE];
	[sflag:s23] =	ssyncadd.s32 $0xFFFFFFFF  }
0xa5: {  	s26 =	simm.s32 $execute0_lowered;
	[smem:$0x3FD2] =	sst s25  }
0xa6: {  	s5 =	sshll.u32 s26, $0x1;
	_ =	strace $0x80000046;
	[dreg:$0x1] =	wrdreg $0xFFFFFFFF  }
0xa7: {  	s28 =	simm.s32 $_size_execute0_lowered;
	s3 =	sadd.s32 s3, s5;
	[dreg:$0x0] =	wrdreg $0x0  }
0xa8: {  	s5 =	sshll.u32 s28, $0x1;
	[dreg:$0x2] =	wrdreg s3  }
0xa9: {  	[dreg:$0x3] =	wrdreg s5  }
0xaa: {  	[dreg:$0x4] =	wrdreg $0xC0  }
0xab: {  	_ =	task [dreg:s7], $0x5FFFF  }
0xac: {  	[dreg:$0x1] =	wrdreg $0xFFFFFFFF  }
0xad: {  	[dreg:$0x0] =	wrdreg $0x60  }
0xae: {  	[dreg:$0x2] =	wrdreg s24  }
0xaf: {  	[dreg:$0x3] =	wrdreg s2  }
0xb0: {  	[dreg:$0x4] =	wrdreg $0x9  }
0xb1: {  	_ =	task.clear_ibuf [dreg:s7], $0x5FFFF;
	_ =	strace $0x90000046  }
0xb2: {  	s29 =	simm.s32 $0x9;
	_ =	strace $0x80000048  }
0xb3: {  	_ =	swait.ge [sflag:s29], $0x1  }
0xb4: {  	[sflag:s29] =	ssyncadd.s32 $0xFFFFFFFF  }
0xb5: {  	_ =	strace $0x90000048  }
0xb6: {  	_ =	sfence  }
0xb7: {  	s30 =	sld [smem:$0x0];
	_ =	sdelay $0x2  }
0xb8: {  	s31 =	sshll.u32 s1, $0xD;
	s1 =	sshrl.u32 s1, $0x2  }
0xb9: {  	s3 =	sand.u32 $0x4000, s31;
	s1 =	sadd.s32 s1, s30  }
0xba: {  	s0 =	sor.u32 s3, s0;
	s1 =	sshll.u32 s1, $0x11  }
0xbb: {  	s0 =	sor.u32 s1, s0  }
0xbc: {  	s0 =	sadd.s32 $0x8F2B, s0  }
0xbd: {  	[sflag:s0] =	ssyncadd.remote.s32 $0x1  }
0xbe: {  	_ =	sfence.sel $0xFFFF  }
0xbf: {  	[dreg:$0x0] =	wrdreg $0xFFFFFFFF;
	(pc) =	sbr.abs _section_cstart, $3  }
0xc0: {  	[dreg:$0x1] =	wrdreg $0xFFFFFFFF  }
0xc1: {  	_ =	task.clear_ibuf [dreg:s7], $0x2FFFF;
	_ =	strace $0x9FFFFFFF  }
0xc2: {  	(tm) =	ssettm $0x7FFFFFFF  }
0xc3: {  	_ =	shalt  }
tec
execute0_lowered:
.L_overlay_start_1:
0x0: {  	(tag) =	ssettag $0x1  }
0x1: {  	s0 =	rddreg [dreg:$0x0]  }
0x2: {  	s1 =	srdreg.scid;
	s11 =	stileid.u32  }
0x3: {  	s4 =	rddreg [dreg:$0x1];
	s2 =	simm.s32 $0x0;
	s28 =	simm.s32 $0x8400  }
0x4: {  	s29 =	simm.s32 $0x280;
	s30 =	simm.s32 $0xA400;
	s31 =	simm.s32 $0x300  }
0x5: {  	s1 =	sand.u32 $0x1, s1;
	s3 =	sshll.u32 s11, $0x1;
	s13 =	smul.u32 $0x640, s11  }
0x6: {  	s3 =	sor.u32 s1, s3;
	s6 =	ssub.s32 $0x2, s1;
	s1 =	smul.u32 $0x320, s1  }
0x7: {  	[smem:$0x7FF] =	sst s2;
	s8 =	sadd.s32 $0x1400, s0;
	s5 =	smul.u32 $0x3200, s3  }
0x8: {  	_ =	strace $0x80000047;
	s7 =	smul.u32 $0xC8000, s3;
	s9 =	sshrl.u32 s6, $0x1  }
0x9: {  	s10 =	smul.u32 $0x19000, s3;
	s3 =	sadd.s32 $0x800, s0;
	s12 =	ssub.s32 s6, s9  }
0xa: {  	s1 =	sadd.s32 s1, s13;
	s9 =	simm.s32 $0x0;
	s5 =	sadd.s32 s8, s5  }
0xb: {  	s14 =	sadd.s32 s4, s7;
	s16 =	sor.u32 $0x200, s10;
	s21 =	sor.u32 $0xC, s1  }
0xc: {  	s1 =	sor.u32 $0x8, s1;
	s0 =	smax.u32 s12, $0x1;
	[dreg:$0x5] =	wrdreg s5  }
0xd: {  	s7 =	sadd.s32 $0x400, s14;
	s15 =	sadd.s32 $0x800, s14;
	[dreg:$0x6] =	wrdreg s14  }
0xe: {  	s17 =	sadd.s32 $0xC00, s14;
	s18 =	sshrl.u32 s16, $0x3;
	[dreg:$0xf] =	wrdreg s0  }
0xf: {  	s20 =	sshll.u32 s16, $0x3;
	s22 =	sadd.s32 $0x1400, s14;
	[dreg:$0x7] =	wrdreg s7  }
0x10: {  	s23 =	sshrl.u32 s21, $0x2;
	s24 =	sadd.s32 $0x1800, s14;
	[dreg:$0x8] =	wrdreg s15  }
0x11: {  	s5 =	sadd.s32 $0x1C00, s14;
	s1 =	sshrl.u32 s1, $0x3;
	[dreg:$0x9] =	wrdreg s17  }
0x12: {  	s21 =	simm.s32 $0x100;
	s19 =	sadd.s32 s8, s18;
	[dreg:$0xc] =	wrdreg s22  }
0x13: {  	s6 =	sadd.s32 s4, s20;
	[dreg:$0xd] =	wrdreg s24;
	s25 =	sshll.u32 s23, $0xC  }
0x14: {  	[dreg:$0xe] =	wrdreg s5;
	s26 =	sshll.u32 s1, $0xD;
	s1 =	sshll.u32 s1, $0x7  }
0x15: {  	s17 =	simm.s32 $0x5;
	s18 =	simm.s32 $0x80;
	s20 =	simm.s32 $0x2400  }
0x16: {  	s22 =	simm.s32 $0x4400;
	s24 =	simm.s32 $0x6400;
	[dreg:$0xa] =	wrdreg s19  }
0x17: {  	[dreg:$0xb] =	wrdreg s6;
	s7 =	sadd.s32 s25, s4;
	s6 =	sshll.u32 s23, $0x6  }
0x18: {  	s0 =	sadd.s32 s26, s4;
	s16 =	sadd.s32 s1, s8;
	s19 =	simm.s32 $0x400  }
0x19: {  	s23 =	simm.s32 $0x180;
	s25 =	simm.s32 $0x1;
	s26 =	simm.s32 $0x200  }
0x1a: {  	s1 =	simm.s32 $0xC400;
	s4 =	simm.s32 $0xE400;
	[dreg:$0x3] =	wrdreg s7  }
0x1b: {  	s15 =	sadd.s32 s6, s8;
	[dreg:$0x4] =	wrdreg s0;
	s0 =	simm.s32 $0x380  }
0x1c: {  	s6 =	simm.s32 $0x2;
	s7 =	simm.s32 $0x3;
	s8 =	simm.s32 $0x4  }
.LBB2_1:
0x1d: {  	s5 =	rddreg [dreg:$0x5]  }
0x1e: {  	[tilespmem:s2], [sflag:$0x5] =	stream.linear.gather [hbm4b:s5+s2], $0x200, $0x38;
	[tilespmem:$0x10400] =	vst v63  }
0x1f: {  	_ =	swait.ge [sflag:s17], $0x200  }
0x20: {  	[sflag:s17] =	ssyncset.done $0x0  }
0x21: {  	[sflag:s17] =	ssyncadd.s32 $0xFFFFFE00  }
0x22: {  	[tilespmem:s19], [sflag:$0x1] =	stream.indirect.gather [hbm4b:s3+s18], $0x40, s2, s18, $0xb8;
	[tilespmem:$0x10400] =	vst v63  }
0x23: {  	_ = 	snop  }
0x24: {  	[tilespmem:s20], [sflag:$0x1] =	stream.indirect.gather [hbm4b:s3+s18], $0x40, s18, s18, $0xb8;
	[tilespmem:$0x10400] =	vst v63  }
0x25: {  	_ = 	snop  }
0x26: {  	[tilespmem:s22], [sflag:$0x1] =	stream.indirect.gather [hbm4b:s3+s18], $0x40, s21, s18, $0xb8;
	[tilespmem:$0x10400] =	vst v63  }
0x27: {  	_ = 	snop  }
0x28: {  	[tilespmem:s24], [sflag:$0x1] =	stream.indirect.gather [hbm4b:s3+s18], $0x40, s23, s18, $0xb8;
	[tilespmem:$0x10400] =	vst v63  }
0x29: {  	_ =	swait.ge [sflag:s25], $0x2000  }
0x2a: {  	[sflag:s25] =	ssyncset.done $0x0  }
0x2b: {  	[sflag:s25] =	ssyncadd.s32 $0xFFFFE000  }
0x2c: {  	_ =	swait.ge [sflag:s25], $0x2000  }
0x2d: {  	[sflag:s25] =	ssyncset.done $0x0  }
0x2e: {  	[sflag:s25] =	ssyncadd.s32 $0xFFFFE000  }
0x2f: {  	_ =	swait.ge [sflag:s25], $0x2000  }
0x30: {  	[sflag:s25] =	ssyncset.done $0x0  }
0x31: {  	[sflag:s25] =	ssyncadd.s32 $0xFFFFE000  }
0x32: {  	_ =	swait.ge [sflag:s25], $0x2000  }
0x33: {  	[sflag:s25] =	ssyncset.done $0x0  }
0x34: {  	s11 =	rddreg [dreg:$0x6];
	[sflag:s25] =	ssyncadd.s32 $0xFFFFE000  }
0x35: {  	[hbm4b:s11+s2] =	stream.linear.scatter [tilespmem:s19], [sflag:$0x3], $0x2000, $0x38;
	[tilespmem:$0x10400] =	vst v63  }
0x36: {  	s12 =	rddreg [dreg:$0x7]  }
0x37: {  	[hbm4b:s12+s2] =	stream.linear.scatter [tilespmem:s20], [sflag:$0x3], $0x2000, $0x38;
	[tilespmem:$0x10400] =	vst v63  }
0x38: {  	s13 =	rddreg [dreg:$0x8]  }
0x39: {  	[hbm4b:s13+s2] =	stream.linear.scatter [tilespmem:s22], [sflag:$0x3], $0x2000, $0x38;
	[tilespmem:$0x10400] =	vst v63  }
0x3a: {  	s14 =	rddreg [dreg:$0x9]  }
0x3b: {  	[hbm4b:s14+s2] =	stream.linear.scatter [tilespmem:s24], [sflag:$0x3], $0x2000, $0x38;
	[tilespmem:$0x10400] =	vst v63  }
0x3c: {  	s10 =	rddreg [dreg:$0xa]  }
0x3d: {  	[tilespmem:s26], [sflag:$0x5] =	stream.linear.gather [hbm4b:s10+s2], $0x200, $0x38;
	[tilespmem:$0x10400] =	vst v63  }
0x3e: {  	_ =	swait.ge [sflag:s17], $0x200  }
0x3f: {  	[sflag:s17] =	ssyncset.done $0x0  }
0x40: {  	[sflag:s17] =	ssyncadd.s32 $0xFFFFFE00  }
0x41: {  	[tilespmem:s28], [sflag:$0x2] =	stream.indirect.gather [hbm4b:s3+s18], $0x40, s26, s18, $0xb8;
	[tilespmem:$0x10400] =	vst v63  }
0x42: {  	_ = 	snop  }
0x43: {  	[tilespmem:s30], [sflag:$0x2] =	stream.indirect.gather [hbm4b:s3+s18], $0x40, s29, s18, $0xb8;
	[tilespmem:$0x10400] =	vst v63  }
0x44: {  	_ = 	snop  }
0x45: {  	[tilespmem:s1], [sflag:$0x2] =	stream.indirect.gather [hbm4b:s3+s18], $0x40, s31, s18, $0xb8;
	[tilespmem:$0x10400] =	vst v63  }
0x46: {  	_ = 	snop  }
0x47: {  	[tilespmem:s4], [sflag:$0x2] =	stream.indirect.gather [hbm4b:s3+s18], $0x40, s0, s18, $0xb8;
	[tilespmem:$0x10400] =	vst v63  }
0x48: {  	_ =	swait.ge [sflag:s6], $0x2000  }
0x49: {  	[sflag:s6] =	ssyncset.done $0x0  }
0x4a: {  	[sflag:s6] =	ssyncadd.s32 $0xFFFFE000  }
0x4b: {  	_ =	swait.ge [sflag:s6], $0x2000  }
0x4c: {  	[sflag:s6] =	ssyncset.done $0x0  }
0x4d: {  	[sflag:s6] =	ssyncadd.s32 $0xFFFFE000  }
0x4e: {  	_ =	swait.ge [sflag:s6], $0x2000  }
0x4f: {  	[sflag:s6] =	ssyncset.done $0x0  }
0x50: {  	[sflag:s6] =	ssyncadd.s32 $0xFFFFE000  }
0x51: {  	_ =	swait.ge [sflag:s6], $0x2000  }
0x52: {  	[sflag:s6] =	ssyncset.done $0x0  }
0x53: {  	s11 =	rddreg [dreg:$0xb];
	[sflag:s6] =	ssyncadd.s32 $0xFFFFE000  }
0x54: {  	[hbm4b:s11+s2] =	stream.linear.scatter [tilespmem:s28], [sflag:$0x4], $0x2000, $0x38;
	[tilespmem:$0x10400] =	vst v63  }
0x55: {  	s12 =	rddreg [dreg:$0xc]  }
0x56: {  	[hbm4b:s12+s2] =	stream.linear.scatter [tilespmem:s30], [sflag:$0x4], $0x2000, $0x38;
	[tilespmem:$0x10400] =	vst v63  }
0x57: {  	s13 =	rddreg [dreg:$0xd]  }
0x58: {  	[hbm4b:s13+s2] =	stream.linear.scatter [tilespmem:s1], [sflag:$0x4], $0x2000, $0x38;
	[tilespmem:$0x10400] =	vst v63  }
0x59: {  	s14 =	rddreg [dreg:$0xe]  }
0x5a: {  	[hbm4b:s14+s2] =	stream.linear.scatter [tilespmem:s4], [sflag:$0x4], $0x2000, $0x38;
	[tilespmem:$0x10400] =	vst v63  }
0x5b: {  	_ =	swait.ge [sflag:s7], $0x2000  }
0x5c: {  	[sflag:s7] =	ssyncset.done $0x0  }
0x5d: {  	[sflag:s7] =	ssyncadd.s32 $0xFFFFE000  }
0x5e: {  	_ =	swait.ge [sflag:s7], $0x2000  }
0x5f: {  	[sflag:s7] =	ssyncset.done $0x0  }
0x60: {  	[sflag:s7] =	ssyncadd.s32 $0xFFFFE000  }
0x61: {  	_ =	swait.ge [sflag:s7], $0x2000  }
0x62: {  	[sflag:s7] =	ssyncset.done $0x0  }
0x63: {  	[sflag:s7] =	ssyncadd.s32 $0xFFFFE000  }
0x64: {  	_ =	swait.ge [sflag:s7], $0x2000  }
0x65: {  	[sflag:s7] =	ssyncset.done $0x0  }
0x66: {  	[sflag:s7] =	ssyncadd.s32 $0xFFFFE000  }
0x67: {  	[tilespmem:s2], [sflag:$0x5] =	stream.linear.gather [hbm4b:s16+s2], $0x200, $0x38;
	[tilespmem:$0x10400] =	vst v63  }
0x68: {  	_ =	swait.ge [sflag:s17], $0x200  }
0x69: {  	[sflag:s17] =	ssyncset.done $0x0  }
0x6a: {  	[sflag:s17] =	ssyncadd.s32 $0xFFFFFE00  }
0x6b: {  	[tilespmem:s19], [sflag:$0x1] =	stream.indirect.gather [hbm4b:s3+s18], $0x40, s2, s18, $0xb8;
	[tilespmem:$0x10400] =	vst v63  }
0x6c: {  	_ = 	snop  }
0x6d: {  	[tilespmem:s20], [sflag:$0x1] =	stream.indirect.gather [hbm4b:s3+s18], $0x40, s18, s18, $0xb8;
	[tilespmem:$0x10400] =	vst v63  }
0x6e: {  	_ = 	snop  }
0x6f: {  	[tilespmem:s22], [sflag:$0x1] =	stream.indirect.gather [hbm4b:s3+s18], $0x40, s21, s18, $0xb8;
	[tilespmem:$0x10400] =	vst v63  }
0x70: {  	_ = 	snop  }
0x71: {  	[tilespmem:s24], [sflag:$0x1] =	stream.indirect.gather [hbm4b:s3+s18], $0x40, s23, s18, $0xb8;
	[tilespmem:$0x10400] =	vst v63  }
0x72: {  	_ =	swait.ge [sflag:s25], $0x2000  }
0x73: {  	[sflag:s25] =	ssyncset.done $0x0  }
0x74: {  	[sflag:s25] =	ssyncadd.s32 $0xFFFFE000  }
0x75: {  	_ =	swait.ge [sflag:s25], $0x2000  }
0x76: {  	[sflag:s25] =	ssyncset.done $0x0  }
0x77: {  	[sflag:s25] =	ssyncadd.s32 $0xFFFFE000  }
0x78: {  	_ =	swait.ge [sflag:s25], $0x2000  }
0x79: {  	[sflag:s25] =	ssyncset.done $0x0  }
0x7a: {  	[sflag:s25] =	ssyncadd.s32 $0xFFFFE000  }
0x7b: {  	_ =	swait.ge [sflag:s25], $0x2000  }
0x7c: {  	s10 =	rddreg [dreg:$0x4];
	[sflag:s25] =	ssyncset.done $0x0  }
0x7d: {  	[sflag:s25] =	ssyncadd.s32 $0xFFFFE000;
	s10 =	sadd.s32 $0x0, s10  }
0x7e: {  	[hbm4b:s10+s2] =	stream.linear.scatter [tilespmem:s19], [sflag:$0x3], $0x2000, $0x38;
	[tilespmem:$0x10400] =	vst v63  }
0x7f: {  	s11 =	sadd.s32 $0x400, s10  }
0x80: {  	[hbm4b:s11+s2] =	stream.linear.scatter [tilespmem:s20], [sflag:$0x3], $0x2000, $0x38;
	[tilespmem:$0x10400] =	vst v63  }
0x81: {  	s5 =	sadd.s32 $0x800, s10  }
0x82: {  	[hbm4b:s5+s2] =	stream.linear.scatter [tilespmem:s22], [sflag:$0x3], $0x2000, $0x38;
	[tilespmem:$0x10400] =	vst v63  }
0x83: {  	s10 =	sadd.s32 $0xC00, s10  }
0x84: {  	[hbm4b:s10+s2] =	stream.linear.scatter [tilespmem:s24], [sflag:$0x3], $0x2000, $0x38;
	[tilespmem:$0x10400] =	vst v63  }
0x85: {  	_ =	swait.ge [sflag:s8], $0x2000  }
0x86: {  	[sflag:s8] =	ssyncset.done $0x0  }
0x87: {  	[sflag:s8] =	ssyncadd.s32 $0xFFFFE000  }
0x88: {  	_ =	swait.ge [sflag:s8], $0x2000  }
0x89: {  	[sflag:s8] =	ssyncset.done $0x0  }
0x8a: {  	[sflag:s8] =	ssyncadd.s32 $0xFFFFE000  }
0x8b: {  	_ =	swait.ge [sflag:s8], $0x2000  }
0x8c: {  	[sflag:s8] =	ssyncset.done $0x0  }
0x8d: {  	[sflag:s8] =	ssyncadd.s32 $0xFFFFE000  }
0x8e: {  	_ =	swait.ge [sflag:s8], $0x2000  }
0x8f: {  	[sflag:s8] =	ssyncset.done $0x0  }
0x90: {  	[sflag:s8] =	ssyncadd.s32 $0xFFFFE000  }
0x91: {  	[tilespmem:s26], [sflag:$0x5] =	stream.linear.gather [hbm4b:s15+s2], $0x200, $0x38;
	[tilespmem:$0x10400] =	vst v63  }
0x92: {  	_ =	swait.ge [sflag:s17], $0x200  }
0x93: {  	[sflag:s17] =	ssyncset.done $0x0  }
0x94: {  	[sflag:s17] =	ssyncadd.s32 $0xFFFFFE00  }
0x95: {  	[tilespmem:s28], [sflag:$0x2] =	stream.indirect.gather [hbm4b:s3+s18], $0x40, s26, s18, $0xb8;
	[tilespmem:$0x10400] =	vst v63  }
0x96: {  	_ = 	snop  }
0x97: {  	[tilespmem:s30], [sflag:$0x2] =	stream.indirect.gather [hbm4b:s3+s18], $0x40, s29, s18, $0xb8;
	[tilespmem:$0x10400] =	vst v63  }
0x98: {  	_ = 	snop  }
0x99: {  	[tilespmem:s1], [sflag:$0x2] =	stream.indirect.gather [hbm4b:s3+s18], $0x40, s31, s18, $0xb8;
	[tilespmem:$0x10400] =	vst v63  }
0x9a: {  	_ = 	snop  }
0x9b: {  	[tilespmem:s4], [sflag:$0x2] =	stream.indirect.gather [hbm4b:s3+s18], $0x40, s0, s18, $0xb8;
	[tilespmem:$0x10400] =	vst v63  }
0x9c: {  	_ =	swait.ge [sflag:s6], $0x2000  }
0x9d: {  	[sflag:s6] =	ssyncset.done $0x0  }
0x9e: {  	[sflag:s6] =	ssyncadd.s32 $0xFFFFE000  }
0x9f: {  	_ =	swait.ge [sflag:s6], $0x2000  }
0xa0: {  	[sflag:s6] =	ssyncset.done $0x0  }
0xa1: {  	[sflag:s6] =	ssyncadd.s32 $0xFFFFE000  }
0xa2: {  	_ =	swait.ge [sflag:s6], $0x2000  }
0xa3: {  	[sflag:s6] =	ssyncset.done $0x0  }
0xa4: {  	[sflag:s6] =	ssyncadd.s32 $0xFFFFE000  }
0xa5: {  	_ =	swait.ge [sflag:s6], $0x2000  }
0xa6: {  	s12 =	rddreg [dreg:$0x3];
	[sflag:s6] =	ssyncset.done $0x0  }
0xa7: {  	[sflag:s6] =	ssyncadd.s32 $0xFFFFE000;
	s13 =	sadd.s32 $0x0, s12  }
0xa8: {  	[hbm4b:s13+s2] =	stream.linear.scatter [tilespmem:s28], [sflag:$0x4], $0x2000, $0x38;
	[tilespmem:$0x10400] =	vst v63  }
0xa9: {  	s11 =	sadd.s32 $0x80, s15;
	s12 =	sadd.s32 $0x80, s16;
	s10 =	sadd.s32 $0x400, s13  }
0xaa: {  	[hbm4b:s10+s2] =	stream.linear.scatter [tilespmem:s30], [sflag:$0x4], $0x2000, $0x38;
	[tilespmem:$0x10400] =	vst v63  }
0xab: {  	s14 =	sadd.s32 $0x800, s13;
	s13 =	sadd.s32 $0xC00, s13;
	s10 =	simm.s32 $0x2000  }
0xac: {  	[hbm4b:s14+s2] =	stream.linear.scatter [tilespmem:s1], [sflag:$0x4], $0x2000, $0x38;
	[tilespmem:$0x10400] =	vst v63  }
.LBB2_2:
0xad: {  	[hbm4b:s13+s2] =	stream.linear.scatter [tilespmem:s4], [sflag:$0x4], $0x2000, $0x38;
	[tilespmem:$0x10400] =	vst v63  }
0xae: {  	_ =	swait.ge [sflag:s7], $0x2000  }
0xaf: {  	[sflag:s7] =	ssyncset.done $0x0  }
0xb0: {  	[sflag:s7] =	ssyncadd.s32 $0xFFFFE000  }
0xb1: {  	_ =	swait.ge [sflag:s7], $0x2000  }
0xb2: {  	[sflag:s7] =	ssyncset.done $0x0  }
0xb3: {  	[sflag:s7] =	ssyncadd.s32 $0xFFFFE000  }
0xb4: {  	_ =	swait.ge [sflag:s7], $0x2000  }
0xb5: {  	[sflag:s7] =	ssyncset.done $0x0  }
0xb6: {  	[sflag:s7] =	ssyncadd.s32 $0xFFFFE000  }
0xb7: {  	_ =	swait.ge [sflag:s7], $0x2000  }
0xb8: {  	[sflag:s7] =	ssyncset.done $0x0  }
0xb9: {  	[sflag:s7] =	ssyncadd.s32 $0xFFFFE000  }
0xba: {  	[tilespmem:s2], [sflag:$0x5] =	stream.linear.gather [hbm4b:s12+s2], $0x200, $0x38;
	[tilespmem:$0x10400] =	vst v63  }
0xbb: {  	_ =	swait.ge [sflag:s17], $0x200  }
0xbc: {  	[sflag:s17] =	ssyncset.done $0x0  }
0xbd: {  	[sflag:s17] =	ssyncadd.s32 $0xFFFFFE00  }
0xbe: {  	[tilespmem:s19], [sflag:$0x1] =	stream.indirect.gather [hbm4b:s3+s18], $0x40, s2, s18, $0xb8;
	[tilespmem:$0x10400] =	vst v63  }
0xbf: {  	_ = 	snop  }
0xc0: {  	[tilespmem:s20], [sflag:$0x1] =	stream.indirect.gather [hbm4b:s3+s18], $0x40, s18, s18, $0xb8;
	[tilespmem:$0x10400] =	vst v63  }
0xc1: {  	_ = 	snop  }
0xc2: {  	[tilespmem:s22], [sflag:$0x1] =	stream.indirect.gather [hbm4b:s3+s18], $0x40, s21, s18, $0xb8;
	[tilespmem:$0x10400] =	vst v63  }
0xc3: {  	_ = 	snop  }
0xc4: {  	[tilespmem:s24], [sflag:$0x1] =	stream.indirect.gather [hbm4b:s3+s18], $0x40, s23, s18, $0xb8;
	[tilespmem:$0x10400] =	vst v63  }
0xc5: {  	_ =	swait.ge [sflag:s25], $0x2000  }
0xc6: {  	[sflag:s25] =	ssyncset.done $0x0  }
0xc7: {  	[sflag:s25] =	ssyncadd.s32 $0xFFFFE000  }
0xc8: {  	_ =	swait.ge [sflag:s25], $0x2000  }
0xc9: {  	[sflag:s25] =	ssyncset.done $0x0  }
0xca: {  	[sflag:s25] =	ssyncadd.s32 $0xFFFFE000  }
0xcb: {  	_ =	swait.ge [sflag:s25], $0x2000  }
0xcc: {  	[sflag:s25] =	ssyncset.done $0x0  }
0xcd: {  	[sflag:s25] =	ssyncadd.s32 $0xFFFFE000  }
0xce: {  	_ =	swait.ge [sflag:s25], $0x2000  }
0xcf: {  	s13 =	smov.u32 s10;
	s14 =	rddreg [dreg:$0x4];
	[sflag:s25] =	ssyncset.done $0x0  }
0xd0: {  	[sflag:s25] =	ssyncadd.s32 $0xFFFFE000;
	s14 =	sadd.s32 s13, s14  }
0xd1: {  	[hbm4b:s14+s2] =	stream.linear.scatter [tilespmem:s19], [sflag:$0x3], $0x2000, $0x38;
	[tilespmem:$0x10400] =	vst v63  }
0xd2: {  	s5 =	sadd.s32 $0x400, s14  }
0xd3: {  	[hbm4b:s5+s2] =	stream.linear.scatter [tilespmem:s20], [sflag:$0x3], $0x2000, $0x38;
	[tilespmem:$0x10400] =	vst v63  }
0xd4: {  	s5 =	sadd.s32 $0x800, s14  }
0xd5: {  	[hbm4b:s5+s2] =	stream.linear.scatter [tilespmem:s22], [sflag:$0x3], $0x2000, $0x38;
	[tilespmem:$0x10400] =	vst v63  }
0xd6: {  	s14 =	sadd.s32 $0xC00, s14  }
0xd7: {  	[hbm4b:s14+s2] =	stream.linear.scatter [tilespmem:s24], [sflag:$0x3], $0x2000, $0x38;
	[tilespmem:$0x10400] =	vst v63  }
0xd8: {  	_ =	swait.ge [sflag:s8], $0x2000  }
0xd9: {  	[sflag:s8] =	ssyncset.done $0x0  }
0xda: {  	[sflag:s8] =	ssyncadd.s32 $0xFFFFE000  }
0xdb: {  	_ =	swait.ge [sflag:s8], $0x2000  }
0xdc: {  	[sflag:s8] =	ssyncset.done $0x0  }
0xdd: {  	[sflag:s8] =	ssyncadd.s32 $0xFFFFE000  }
0xde: {  	_ =	swait.ge [sflag:s8], $0x2000  }
0xdf: {  	[sflag:s8] =	ssyncset.done $0x0  }
0xe0: {  	[sflag:s8] =	ssyncadd.s32 $0xFFFFE000  }
0xe1: {  	_ =	swait.ge [sflag:s8], $0x2000  }
0xe2: {  	[sflag:s8] =	ssyncset.done $0x0  }
0xe3: {  	[sflag:s8] =	ssyncadd.s32 $0xFFFFE000  }
0xe4: {  	[tilespmem:s26], [sflag:$0x5] =	stream.linear.gather [hbm4b:s11+s2], $0x200, $0x38;
	[tilespmem:$0x10400] =	vst v63  }
0xe5: {  	_ =	swait.ge [sflag:s17], $0x200  }
0xe6: {  	[sflag:s17] =	ssyncset.done $0x0  }
0xe7: {  	[sflag:s17] =	ssyncadd.s32 $0xFFFFFE00  }
0xe8: {  	[tilespmem:s28], [sflag:$0x2] =	stream.indirect.gather [hbm4b:s3+s18], $0x40, s26, s18, $0xb8;
	[tilespmem:$0x10400] =	vst v63  }
0xe9: {  	_ = 	snop  }
0xea: {  	[tilespmem:s30], [sflag:$0x2] =	stream.indirect.gather [hbm4b:s3+s18], $0x40, s29, s18, $0xb8;
	[tilespmem:$0x10400] =	vst v63  }
0xeb: {  	_ = 	snop  }
0xec: {  	[tilespmem:s1], [sflag:$0x2] =	stream.indirect.gather [hbm4b:s3+s18], $0x40, s31, s18, $0xb8;
	[tilespmem:$0x10400] =	vst v63  }
0xed: {  	_ = 	snop  }
0xee: {  	[tilespmem:s4], [sflag:$0x2] =	stream.indirect.gather [hbm4b:s3+s18], $0x40, s0, s18, $0xb8;
	[tilespmem:$0x10400] =	vst v63  }
0xef: {  	_ =	swait.ge [sflag:s6], $0x2000  }
0xf0: {  	[sflag:s6] =	ssyncset.done $0x0  }
0xf1: {  	[sflag:s6] =	ssyncadd.s32 $0xFFFFE000  }
0xf2: {  	_ =	swait.ge [sflag:s6], $0x2000  }
0xf3: {  	[sflag:s6] =	ssyncset.done $0x0  }
0xf4: {  	[sflag:s6] =	ssyncadd.s32 $0xFFFFE000  }
0xf5: {  	_ =	swait.ge [sflag:s6], $0x2000  }
0xf6: {  	[sflag:s6] =	ssyncset.done $0x0  }
0xf7: {  	[sflag:s6] =	ssyncadd.s32 $0xFFFFE000  }
0xf8: {  	_ =	swait.ge [sflag:s6], $0x2000  }
0xf9: {  	s14 =	rddreg [dreg:$0x3];
	[sflag:s6] =	ssyncset.done $0x0  }
0xfa: {  	p0 =	sne.s32 s10, $0xC4000;
	[sflag:s6] =	ssyncadd.s32 $0xFFFFE000;
	s5 =	sadd.s32 s13, s14  }
0xfb: {  	[hbm4b:s5+s2] =	stream.linear.scatter [tilespmem:s28], [sflag:$0x4], $0x2000, $0x38;
	[tilespmem:$0x10400] =	vst v63  }
.Ltmp0:
0xfc: {  	_ = 	snop;
	(pc) =	sbr.rel @p0 .LBB2_2-.Ltmp0, $4  }
0xfd: {  	s10 =	sadd.s32 $0x2000, s10;
	s12 =	sadd.s32 $0x80, s12;
	s13 =	sadd.s32 $0x400, s5  }
0xfe: {  	[hbm4b:s13+s2] =	stream.linear.scatter [tilespmem:s30], [sflag:$0x4], $0x2000, $0x38;
	[tilespmem:$0x10400] =	vst v63  }
0xff: {  	s11 =	sadd.s32 $0x80, s11;
	s14 =	sadd.s32 $0x800, s5;
	s13 =	sadd.s32 $0xC00, s5  }
0x100: {  	[hbm4b:s14+s2] =	stream.linear.scatter [tilespmem:s1], [sflag:$0x4], $0x2000, $0x38;
	[tilespmem:$0x10400] =	vst v63  }
0x101: {  	[hbm4b:s13+s2] =	stream.linear.scatter [tilespmem:s4], [sflag:$0x4], $0x2000, $0x38;
	[tilespmem:$0x10400] =	vst v63  }
0x102: {  	_ =	swait.ge [sflag:s7], $0x2000  }
0x103: {  	[sflag:s7] =	ssyncset.done $0x0  }
0x104: {  	[sflag:s7] =	ssyncadd.s32 $0xFFFFE000  }
0x105: {  	_ =	swait.ge [sflag:s7], $0x2000  }
0x106: {  	[sflag:s7] =	ssyncset.done $0x0  }
0x107: {  	[sflag:s7] =	ssyncadd.s32 $0xFFFFE000  }
0x108: {  	_ =	swait.ge [sflag:s7], $0x2000  }
0x109: {  	[sflag:s7] =	ssyncset.done $0x0  }
0x10a: {  	[sflag:s7] =	ssyncadd.s32 $0xFFFFE000  }
0x10b: {  	_ =	swait.ge [sflag:s7], $0x2000  }
0x10c: {  	[sflag:s7] =	ssyncset.done $0x0  }
0x10d: {  	[sflag:s7] =	ssyncadd.s32 $0xFFFFE000  }
0x10e: {  	_ =	swait.ge [sflag:s8], $0x2000  }
0x10f: {  	[sflag:s8] =	ssyncset.done $0x0  }
0x110: {  	[sflag:s8] =	ssyncadd.s32 $0xFFFFE000  }
0x111: {  	_ =	swait.ge [sflag:s8], $0x2000  }
0x112: {  	[sflag:s8] =	ssyncset.done $0x0  }
0x113: {  	[sflag:s8] =	ssyncadd.s32 $0xFFFFE000  }
0x114: {  	_ =	swait.ge [sflag:s8], $0x2000  }
0x115: {  	[sflag:s8] =	ssyncset.done $0x0  }
0x116: {  	[sflag:s8] =	ssyncadd.s32 $0xFFFFE000  }
0x117: {  	_ =	swait.ge [sflag:s8], $0x2000  }
0x118: {  	s9 =	sadd.s32 $0x1, s9;
	s5 =	rddreg [dreg:$0xf]  }
0x119: {  	p0 =	sne.s32 s9, s5  }
.Ltmp1:
0x11a: {  	_ = 	snop;
	(pc) =	sbr.rel @p0 .LBB2_1-.Ltmp1, $3  }
0x11b: {  	_ =	sdelay $0x1  }
0x11c: {  	[sflag:s8] =	ssyncset.done $0x0  }
0x11d: {  	[sflag:s8] =	ssyncadd.s32 $0xFFFFE000  }
0x11e: {  	_ =	sfence.sel $0x180000  }
0x11f: {  	[bflag:$0x0] =	sbarrier.arrive $0xFFFF  }
0x120: {  	_ =	strace $0x90000047  }
0x121: {  	s0 =	stileid.u32;
	[bflag:$0x2] =	sbarrier.arrive $0xFFFF  }
0x122: {  	p0 =	sne.s32 s0, $0x0;
	s0 =	rddreg [dreg:$0x2]  }
0x123: {  	s0 =	sadd.s32 @!p0 $0x100000, s0  }
0x124: {  	[sflag:s0] =	ssyncadd.tile.s32 @!p0 $0x1;
	_ =	shalt  }
.Lfunc_end2:
_tile_overlayer_lowered:
.L_overlay_start_2:
0x125: {  	(tag) =	ssettag $0x2  }
0x126: {  	s0 =	rddreg [dreg:$0x0];
	s2 =	stileid.u32  }
0x127: {  	s1 =	rddreg [dreg:$0x1];
	p0 =	sne.s32 s2, $0x0  }
0x128: {  	s3 =	rddreg [dreg:$0x2];
	[bflag:$0x3] =	sbarrier.arrive $0xFFFF;
	s2 =	simm.s32 @!p0 $0x1C05  }
0x129: {  	[timem:s3], [sflag:s2] =	dma.local @!p0 [hbm:s0], s1  }
0x12a: {  	s0 =	simm.s32 @!p0 $0x5  }
0x12b: {  	_ =	swait.ge @!p0 [sflag:s0], s1  }
0x12c: {  	s1 =	ssub.s32 @!p0 $0x0, s1;
	[sflag:s0] =	ssyncset.done @!p0 $0x0  }
0x12d: {  	[sflag:s0] =	ssyncadd.s32 @!p0 s1  }
0x12e: {  	[bflag:$0x3] =	sbarrier.arrive $0xFFFF  }
0x12f: {  	_ =	shalt  }

// kernel: sparse-core-data-format-call.cloned.1.call-start
scs
called_computation_lowered:
.L_overlay_start_0:
0x0: {  	s2 =	sld [smem:$0x3FD9]  }
0x1: {  	s3 =	sld [smem:$0x3FFE];
	_ =	sdelay $0x1  }
0x2: {  	s1 =	srdreg.scid  }
0x3: {  	s0 =	sand.u32 $0x1, s1  }
0x4: {  	s18 =	sshll.u32 s0, $0xA;
	s2 =	sadd.s32 s3, s2  }
0x5: {  	s2 =	sadd.s32 s2, s18  }
0x6: {  	[smem:$0x3FC6] =	sst s2  }
0x7: {  	_ = 	snop  }
0x8: {  	s2 =	sld [smem:$0x3FD0];
	(tm) =	ssettm $0x1  }
0x9: {  	s19 =	sld [smem:$0x3FFB];
	_ =	sdelay $0x3  }
0xa: {  	_ =	strace s19  }
0xb: {  	s3 =	sld [smem:$0x3FFC];
	_ =	sdelay $0x3  }
0xc: {  	_ =	strace s3  }
0xd: {  	s3 =	sld [smem:$0x3FFD];
	_ =	sdelay $0x3  }
0xe: {  	_ =	strace s3  }
0xf: {  	_ =	strace $0x8FFFFFFF  }
0x10: {  	s20 =	sld [smem:$0x3FDB];
	_ =	sdelay $0x1  }
0x11: {  	s4 =	simm.s32 $_scs_section_size  }
0x12: {  	s5 =	simm.s32 $_size__tile_overlayer_lowered;
	s6 =	simm.s32 $_tile_overlayer_lowered  }
0x13: {  	s23 =	simm.s32 $0x1BFF;
	s22 =	sshll.u32 s6, $0x1;
	s3 =	sadd.s32 s4, s20  }
0x14: {  	s7 =	simm.s32 $0x0;
	s21 =	sshll.u32 s5, $0x1;
	s5 =	sadd.s32 s22, s3  }
0x15: {  	[timem:s7], [sflag:s23] =	dma.local [hbm:s5], s21  }
0x16: {  	_ =	swait.ge [sflag:s23], s21  }
0x17: {  	s4 =	ssub.s32 $0x0, s21;
	[sflag:s23] =	ssyncset.done $0x0  }
0x18: {  	[sflag:s23] =	ssyncadd.s32 s4;
	_ =	sdelay $0x1  }
0x19: {  	s24 =	simm.s32 $0x1B8B  }
0x1a: {  	_ =	swait.ge [sflag:s24], $0x1  }
0x1b: {  	[sflag:s24] =	ssyncset.done $0x0  }
0x1c: {  	s26 =	simm.s32 $0x1B8E;
	s25 =	sld [smem:$0x3FFE];
	[sflag:s24] =	ssyncadd.s32 $0xFFFFFFFF  }
0x1d: {  	s27 =	simm.s32 $execute0_lowered;
	[smem:$0x3FD2] =	sst s26  }
0x1e: {  	s5 =	sshll.u32 s27, $0x1;
	_ =	strace $0x80000049;
	[dreg:$0x1] =	wrdreg $0xFFFFFFFF  }
0x1f: {  	s28 =	simm.s32 $_size_execute0_lowered;
	s3 =	sadd.s32 s3, s5;
	[dreg:$0x0] =	wrdreg $0x0  }
0x20: {  	s5 =	sshll.u32 s28, $0x1;
	[dreg:$0x2] =	wrdreg s3  }
0x21: {  	[dreg:$0x3] =	wrdreg s5  }
0x22: {  	[dreg:$0x4] =	wrdreg $0xC0  }
0x23: {  	_ =	task [dreg:s7], $0x5FFFF  }
0x24: {  	[dreg:$0x1] =	wrdreg $0xFFFFFFFF  }
0x25: {  	[dreg:$0x0] =	wrdreg $0x60  }
0x26: {  	[dreg:$0x2] =	wrdreg s25  }
0x27: {  	[dreg:$0x3] =	wrdreg s2  }
0x28: {  	[dreg:$0x4] =	wrdreg $0x9  }
0x29: {  	_ =	task.clear_ibuf [dreg:s7], $0x5FFFF;
	_ =	strace $0x90000049  }
0x2a: {  	s29 =	simm.s32 $0x9;
	_ =	strace $0x8000004B  }
0x2b: {  	_ =	swait.ge [sflag:s29], $0x1  }
0x2c: {  	[sflag:s29] =	ssyncadd.s32 $0xFFFFFFFF  }
0x2d: {  	_ =	strace $0x9000004B  }
0x2e: {  	_ =	sfence  }
0x2f: {  	s30 =	sld [smem:$0x0];
	_ =	sdelay $0x2  }
0x30: {  	s31 =	sshll.u32 s1, $0xD;
	s1 =	sshrl.u32 s1, $0x2  }
0x31: {  	s3 =	sand.u32 $0x4000, s31;
	s1 =	sadd.s32 s1, s30  }
0x32: {  	s0 =	sor.u32 s3, s0;
	s1 =	sshll.u32 s1, $0x11  }
0x33: {  	s0 =	sor.u32 s1, s0  }
0x34: {  	s0 =	sadd.s32 $0x8F2B, s0  }
0x35: {  	[sflag:s0] =	ssyncadd.remote.s32 $0x1  }
0x36: {  	_ =	sfence.sel $0xFFFF  }
0x37: {  	[dreg:$0x0] =	wrdreg $0xFFFFFFFF;
	(pc) =	sbr.abs _section_cstart, $3  }
0x38: {  	[dreg:$0x1] =	wrdreg $0xFFFFFFFF  }
0x39: {  	_ =	task.clear_ibuf [dreg:s7], $0x2FFFF;
	_ =	strace $0x9FFFFFFF  }
0x3a: {  	(tm) =	ssettm $0x7FFFFFFF  }
0x3b: {  	_ =	shalt  }
tec
execute0_lowered:
.L_overlay_start_1:
0x0: {  	(tag) =	ssettag $0x1  }
0x1: {  	s0 =	srdreg.scid  }
0x2: {  	s1 =	sshll.u32 s0, $0x4  }
0x3: {  	s0 =	stileid.u32;
	s1 =	sand.u32 $0x10, s1  }
0x4: {  	s1 =	sor.u32 s0, s1  }
0x5: {  	s6 =	rddreg [dreg:$0x0];
	s4 =	simm.s32 $0x1;
	s2 =	sshll.u32 s1, $0x7  }
0x6: {  	s7 =	simm.s32 $0x2;
	s12 =	simm.s32 $0x0;
	s1 =	ssub.s32 $0x4000, s2  }
0x7: {  	s8 =	simm.s32 $0x20000;
	s13 =	simm.s32 $0x0;
	s3 =	sand.u32 $0xF80, s1  }
0x8: {  	s9 =	simm.s32 $0x0;
	s5 =	sshrl.u32 s1, $0xC;
	p0 =	sne.s32 s3, $0x0  }
.Ltmp0:
0x9: {  	s1 =	rddreg [dreg:$0x2];
	s4 =	simm.s32 @!p0 $0x0;
	(pc) =	sbr.rel .LBB1_1-.Ltmp0, $4  }
0xa: {  	s11 =	simm.s32 $0x0;
	s3 =	rddreg [dreg:$0x1];
	s5 =	sadd.s32 s4, s5  }
0xb: {  	_ =	strace $0x8000004A;
	s4 =	simm.s32 $0x1;
	s5 =	smul.u32 $0xC8, s5  }
0xc: {  	s6 =	sadd.s32 $0x800, s6;
	s10 =	smov.u32 s2;
	[sflag:s4] =	ssyncpa.u1 $0x0  }
0xd: {  	p0 =	por $0x0, $0x0;
	[sflag:s7] =	ssyncpa.u1 $0x0;
	s7 =	sor.u32 $0x1, s5  }
.LBB1_4:
0xe: {  	s16 =	sshll.u32 s13, $0x3;
	s17 =	sand.u32 $0x78, s13  }
0xf: {  	s30 =	sand.u32 $0x1F800, s13;
	s12 =	sshll.u32 s12, $0x11;
	s16 =	sand.u32 $0x3C00, s16  }
0x10: {  	[tilespmem:s15+$0x810 ss:$0x81] =	vst.msk $0xffff, v2;
	s31 =	sand.u32 $0x7, s13;
	s16 =	sor.u32 s17, s16;
	s17 =	sadd.s32 s3, s30  }
0x11: {  	[tilespmem:s15+$0x1020 ss:$0x81] =	vst.msk $0xffff, v0;
	s13 =	sshll.u32 s31, $0x12;
	s12 =	sadd.s32 s12, s17;
	s16 =	sshrl.u32 s16, $0x3  }
0x12: {  	[tilespmem:s15+$0x0 ss:$0x81] =	vst.msk $0xffff, v1;
	s13 =	sor.u32 $0x400, s13;
	s12 =	sadd.s32 s16, s12  }
0x13: {  	[hbm4b:s12+s13] =	stream.strided.scatter [tilespmem:s14], [sflag:$0x2], $0x2000, s8, s13, $0x20;
	[tilespmem:$0x8080] =	vst v63  }
.LBB1_5:
0x14: {  	s14 =	sadd.s32 $0x1, s9  }
0x15: {  	s12 =	sadd.s32 $0x1000, s10;
	s16 =	smov.u32 s10;
	p2 =	sgt.s32 s14, $0xC7  }
0x16: {  	s16 =	smov.u32 @p2 s12  }
0x17: {  	s14 =	simm.s32 @p2 $0x0;
	p2 =	sgt.s32 s16, $0x3FFF  }
0x18: {  	s16 =	smov.u32 @p2 s2;
	p2 =	sne.s32 s11, s7  }
.Ltmp1:
0x19: {  	p1 =	slt.u32 s11, $0x2;
	(pc) =	sbr.rel @!p2 .LBB1_6-.Ltmp1, $4  }
0x1a: {  	s15 =	simm.s32 @!p1 $0x2  }
0x1b: {  	s13 =	smov.u32 s10;
	p0 =	por !p0, !p0;
	_ =	swait.ge @!p1 [sflag:s15], $0x2000  }
0x1c: {  	s12 =	smov.u32 s9;
	[sflag:s15] =	ssyncset.done @!p1 $0x0;
	s9 =	smov.u32 s14  }
0x1d: {  	s11 =	sadd.s32 $0x1, s11;
	[sflag:s15] =	ssyncadd.s32 @!p1 $0xFFFFE000;
	s10 =	smov.u32 s16  }
.LBB1_1:
0x1e: {  	p1 =	sge.u32 s11, s5  }
0x1f: {  	s14 =	sand.u32 @!p1 $0x1FFFFFF, s9  }
0x20: {  	s15 =	smulhi.u32 @!p1 $0x147AE15, s14;
	_ =	sdelay $0x1  }
0x21: {  	s15 =	smul.u32 @!p1 $0xC8, s15  }
0x22: {  	s16 =	sxor.u32 @!p1 $0xFFFFFFFF, s11;
	s17 =	smul.u32 @!p1 $0xC80, s10  }
0x23: {  	s31 =	sadd.s32 $0xFFFFFFFF, s11;
	s16 =	sshll.u32 @!p1 s16, $0xD;
	s14 =	ssub.s32 @!p1 s14, s15  }
0x24: {  	s15 =	sand.u32 @!p1 $0x2000, s16;
	s16 =	sadd.s32 @!p1 s6, s17;
	s14 =	sshll.u32 @!p1 s14, $0x4  }
0x25: {  	s17 =	simm.s32 @!p1 $0x6400;
	s14 =	sadd.s32 @!p1 s14, s16;
	s16 =	simm.s32 @!p1 $0x40  }
0x26: {  	[tilespmem:s15], [sflag:$0x1] =	stream.strided.gather @!p1 [hbm4b:s14+s16], $0x2000, s17, s16, $0x38;
	[tilespmem:$0x8080] =	vst v63  }
0x27: {  	p1 =	sge.u32 s31, s5  }
.Ltmp2:
0x28: {  	_ = 	snop;
	(pc) =	sbr.rel @p1 .LBB1_5-.Ltmp2, $1  }
0x29: {  	_ =	sdelay $0x3  }
0x2a: {  	s14 =	simm.s32 $0x1  }
0x2b: {  	_ =	swait.ge [sflag:s4], $0x2000;
	s14 =	simm.s32 @!p0 $0x0  }
0x2c: {  	[sflag:s4] =	ssyncset.done $0x0;
	s15 =	sshll.u32 s14, $0xD  }
0x2d: {  	[sflag:s4] =	ssyncadd.s32 $0xFFFFE000;
	s18 =	sor.u32 $0x20, s15  }
0x2e: {  	s14 =	smul.u32 $0x8100, s14;
	v3 =	vld [tilespmem:s18+$0x10]  }
0x2f: {  	s30 =	sand.u32 $0x1, s11;
	v2 =	vld [tilespmem:s18+$0xFFFFFFF0]  }
0x30: {  	s15 =	smul.u32 $0x8100, s30;
	s14 =	sshrl.u32 s14, $0x2;
	v0 =	vld [tilespmem:s18+$0x0]  }
0x31: {  	v1 =	vld [tilespmem:s18+$0xFFFFFFE0];
	s16 =	sor.u32 $0x4000, s14  }
0x32: {  	s31 =	sshrl.u32 s15, $0x2;
	s15 =	sadd.s32 $0x0, s16  }
0x33: {  	s17 =	simm.s32 $0x4;
	s18 =	sadd.s32 $0x40, s18;
	s14 =	sor.u32 $0x4000, s31;
	[tilespmem:s15+$0x1830 ss:$0x81] =	vst.msk $0xffff, v3  }
.LBB1_3:
0x34: {  	v3 =	vld [tilespmem:s18+$0x10];
	p1 =	sne.s32 s17, $0x1FC;
	[tilespmem:s15+$0x810 ss:$0x81] =	vst.msk $0xffff, v2;
	s19 =	smov.u32 s17;
	s17 =	sadd.s32 $0x4, s17  }
.Ltmp3:
0x35: {  	v2 =	vld [tilespmem:s18+$0xFFFFFFF0];
	[tilespmem:s15+$0x1020 ss:$0x81] =	vst.msk $0xffff, v0;
	(pc) =	sbr.rel @p1 .LBB1_3-.Ltmp3, $4  }
0x36: {  	v0 =	vld [tilespmem:s18+$0x0];
	[tilespmem:s15+$0x0 ss:$0x81] =	vst.msk $0xffff, v1  }
0x37: {  	s15 =	sshra.s32 s19, $0x2;
	v1 =	vld [tilespmem:s18+$0xFFFFFFE0]  }
0x38: {  	s15 =	sadd.s32 s15, s16  }
0x39: {  	s18 =	sadd.s32 $0x40, s18;
	[tilespmem:s15+$0x1830 ss:$0x81] =	vst.msk $0xffff, v3  }
.Ltmp4:
0x3a: {  	_ = 	snop;
	(pc) =	sbr.rel .LBB1_4-.Ltmp4, $1  }
0x3b: {  	_ =	sdelay $0x3  }
.LBB1_6:
0x3c: {  	_ =	sfence.sel $0x180000  }
0x3d: {  	s2 =	simm.s32 $0x1;
	[bflag:$0x0] =	sbarrier.arrive $0xFFFF  }
0x3e: {  	s31 =	simm.s32 $0x2;
	[sflag:s2] =	ssyncpa.u1 $0x1  }
0x3f: {  	[sflag:s31] =	ssyncpa.u1 $0x1  }
0x40: {  	p0 =	sne.s32 s0, $0x0;
	_ =	strace $0x9000004A  }
0x41: {  	s0 =	sadd.s32 @!p0 $0x100000, s1;
	[bflag:$0x2] =	sbarrier.arrive $0xFFFF  }
0x42: {  	[sflag:s0] =	ssyncadd.tile.s32 @!p0 $0x1;
	_ =	shalt  }
.Lfunc_end1:
_tile_overlayer_lowered:
.L_overlay_start_2:
0x43: {  	(tag) =	ssettag $0x2  }
0x44: {  	s0 =	rddreg [dreg:$0x0];
	s2 =	stileid.u32  }
0x45: {  	s1 =	rddreg [dreg:$0x1];
	p0 =	sne.s32 s2, $0x0  }
0x46: {  	s3 =	rddreg [dreg:$0x2];
	[bflag:$0x3] =	sbarrier.arrive $0xFFFF;
	s2 =	simm.s32 @!p0 $0x1C01  }
0x47: {  	[timem:s3], [sflag:s2] =	dma.local @!p0 [hbm:s0], s1  }
0x48: {  	s0 =	simm.s32 @!p0 $0x1  }
0x49: {  	_ =	swait.ge @!p0 [sflag:s0], s1  }
0x4a: {  	s1 =	ssub.s32 @!p0 $0x0, s1;
	[sflag:s0] =	ssyncset.done @!p0 $0x0  }
0x4b: {  	[sflag:s0] =	ssyncadd.s32 @!p0 s1  }
0x4c: {  	[bflag:$0x3] =	sbarrier.arrive $0xFFFF  }
0x4d: {  	_ =	shalt  }

</sc_bundles>
